<compile_context>
chip_gen: v7x
topology: tpu7x:2x2x1
jax: 0.10.2.dev20260603
libtpu: 0.0.44.dev20260713+nightly
codegen_flags: <defaults>
</compile_context>

<pallas_src>
import functools

import jax
import jax.numpy as jnp
from jax import lax
from jax.experimental import pallas as pl
from jax.experimental.pallas import tpu as pltpu
from jax.experimental.pallas import tpu_sc as plsc

HIDDEN = 64
VOCAB = 200
LANES = 16
NUM_CORES = 2
NUM_SUBCORES = 16
NUM_WORKERS = NUM_CORES * NUM_SUBCORES

BATCH = 4096
HIST = 200
BCHUNK = 256
BGROUPS = BATCH // BCHUNK
TOTAL_CHUNKS = HIST * BGROUPS
CHUNKS = TOTAL_CHUNKS // NUM_WORKERS
NBUF = 4
STRIPS = BCHUNK // LANES


def _make_sc_call():
    mesh = plsc.VectorSubcoreMesh(core_axis_name="c", subcore_axis_name="s")

    scratch = [pltpu.VMEM((HIDDEN * VOCAB,), jnp.float32)]
    scratch += [pltpu.VMEM((BCHUNK,), jnp.int32) for _ in range(NBUF)]
    scratch += [pltpu.VMEM((HIDDEN, BCHUNK), jnp.float32) for _ in range(NBUF)]
    scratch += [pltpu.SemaphoreType.DMA for _ in range(2 * NBUF)]

    @functools.partial(
        pl.kernel,
        mesh=mesh,
        out_type=jax.ShapeDtypeStruct((HIST, HIDDEN, BATCH), jnp.float32),
        scratch_types=scratch,
        compiler_params=pltpu.CompilerParams(needs_layout_passes=False),
    )
    def sc_kernel(x_hbm, idx_hbm, table_hbm, out_hbm, table_v, *bufs):
        idx_bufs = bufs[:NBUF]
        x_bufs = bufs[NBUF:2 * NBUF]
        in_sems = bufs[2 * NBUF:3 * NBUF]
        out_sems = bufs[3 * NBUF:]

        wid = lax.axis_index("c") * NUM_SUBCORES + lax.axis_index("s")
        k0 = wid * CHUNKS
        pltpu.sync_copy(table_hbm, table_v)

        def in_descs(g, b):
            k = k0 + g
            l = k // BGROUPS
            c0 = (k % BGROUPS) * BCHUNK
            return (
                pltpu.make_async_copy(
                    idx_hbm.at[pl.ds(l * BATCH + c0, BCHUNK)],
                    idx_bufs[b], in_sems[b]),
                pltpu.make_async_copy(
                    x_hbm.at[l, :, pl.ds(c0, BCHUNK)],
                    x_bufs[b], in_sems[b]),
            )

        def out_desc(g, b):
            k = k0 + g
            l = k // BGROUPS
            c0 = (k % BGROUPS) * BCHUNK
            return pltpu.make_async_copy(
                x_bufs[b], out_hbm.at[l, :, pl.ds(c0, BCHUNK)],
                out_sems[b])

        def compute(b):
            idx_v = idx_bufs[b]
            x_v = x_bufs[b]

            iota16 = lax.broadcasted_iota(jnp.int32, (LANES,), 0)

            @plsc.parallel_loop(0, STRIPS, unroll=1)
            def strip_body(s):
                col = s * LANES
                tvec = idx_v[pl.ds(col, LANES)]
                colvec = col + iota16

                @plsc.parallel_loop(0, HIDDEN, unroll=8)
                def d_body(d):
                    g16 = plsc.load_gather(table_v, [tvec + (d * VOCAB)])
                    dvec = jnp.full((LANES,), 1, jnp.int32) * d
                    plsc.addupdate_scatter(x_v, [dvec, colvec], g16)

        for d in in_descs(0, 0):
            d.start()
        for d in in_descs(1, 1):
            d.start()

        def group_body(i, carry):
            for b in range(NBUF):
                g = i * NBUF + b
                gn = g + 2
                bn = (b + 2) % NBUF

                @pl.when(gn < CHUNKS)
                def _():
                    @pl.when(g >= 2)
                    def _():
                        out_desc(g - 2, bn).wait()
                    for d in in_descs(gn, bn):
                        d.start()

                for d in in_descs(g, b):
                    d.wait()
                compute(b)
                out_desc(g, b).start()
            return carry

        lax.fori_loop(0, CHUNKS // NBUF, group_body, 0)

        for g in range(CHUNKS - NBUF, CHUNKS):
            out_desc(g, g % NBUF).wait()

    return sc_kernel


_SC_CALL = _make_sc_call()


def kernel(x, timesteps, table):
    xt = x.transpose(1, 2, 0)
    idx = timesteps.astype(jnp.int32).transpose(1, 0).reshape(-1)
    tab = table.transpose(1, 0).reshape(-1)
    out_t = _SC_CALL(xt, idx, tab)
    return out_t.transpose(2, 0, 1)

# --- scband reference (transcript-rebuilt; emitter-appended) ---
"""Pipeline reference for scband-temporal-positional-encoding-46351287058700 (READ-ONLY COPY).

The authoritative reference and input builder live on the scoring server;
editing this copy changes nothing except your own understanding.
"""

import jax, jax.numpy as jnp
import numpy as np

HIDDEN_DIM = 64
MAX_TIMESTEPS = 200
BATCH = 4096
HIST = 200

def setup_inputs(seed: int = 0) -> dict:
    key = jax.random.key(seed)
    k1, k2, k3 = jax.random.split(key, 3)
    x = jax.random.normal(k1, (BATCH, HIST, HIDDEN_DIM), dtype=jnp.float32)
    timesteps = jax.random.randint(k2, (BATCH, HIST), 0, MAX_TIMESTEPS, dtype=jnp.int64 if jax.config.jax_enable_x64 else jnp.int32)
    # embedding table, matching nn.Embedding default init N(0, 1)
    table = jax.random.normal(k3, (MAX_TIMESTEPS, HIDDEN_DIM), dtype=jnp.float32)
    return {"x": x, "timesteps": timesteps, "table": table}

def reference(x, timesteps, table):
    # TemporalPositionalEncoding.forward: x + embedding(timesteps)
    pos = jnp.take(table, timesteps, axis=0)  # gather [B, L, D]
    return x + pos

if __name__ == "__main__":
    import jax
    _d = setup_inputs()
    print(jax.jit(kernel)(*tuple(_d.values())))

</pallas_src>

<mosaic_0001>
#map = affine_map<(d0, d1) -> (0, 0, 0)>
#map1 = affine_map<(d0, d1) -> (0)>
module attributes {stable_mosaic.version = 14 : i64} {
  func.func @sc_kernel(%arg0: i32, %arg1: i32, %arg2: memref<200x64x4096xf32, #tpu.memory_space<hbm>>, %arg3: memref<819200xi32, #tpu.memory_space<hbm>>, %arg4: memref<12800xf32, #tpu.memory_space<hbm>>, %arg5: memref<200x64x4096xf32, #tpu.memory_space<hbm>>, %arg6: memref<12800xf32, #tpu.memory_space<vmem>>, %arg7: memref<256xi32, #tpu.memory_space<vmem>>, %arg8: memref<256xi32, #tpu.memory_space<vmem>>, %arg9: memref<256xi32, #tpu.memory_space<vmem>>, %arg10: memref<256xi32, #tpu.memory_space<vmem>>, %arg11: memref<64x256xf32, #tpu.memory_space<vmem>>, %arg12: memref<64x256xf32, #tpu.memory_space<vmem>>, %arg13: memref<64x256xf32, #tpu.memory_space<vmem>>, %arg14: memref<64x256xf32, #tpu.memory_space<vmem>>, %arg15: memref<!tpu.dma_semaphore, #tpu.memory_space<semaphore_mem>>, %arg16: memref<!tpu.dma_semaphore, #tpu.memory_space<semaphore_mem>>, %arg17: memref<!tpu.dma_semaphore, #tpu.memory_space<semaphore_mem>>, %arg18: memref<!tpu.dma_semaphore, #tpu.memory_space<semaphore_mem>>, %arg19: memref<!tpu.dma_semaphore, #tpu.memory_space<semaphore_mem>>, %arg20: memref<!tpu.dma_semaphore, #tpu.memory_space<semaphore_mem>>, %arg21: memref<!tpu.dma_semaphore, #tpu.memory_space<semaphore_mem>>, %arg22: memref<!tpu.dma_semaphore, #tpu.memory_space<semaphore_mem>>) attributes {dimension_semantics = [#tpu.dimension_semantics<core_parallel>, #tpu.dimension_semantics<subcore_parallel>], iteration_bounds = array<i64: 2, 16>, scalar_prefetch = 0 : i64, scratch_operands = 17 : i64, tpu.core_type = #tpu.core_type<sc_vector_subcore>, window_params = [{transform_indices = #map}, {transform_indices = #map1}, {transform_indices = #map1}, {transform_indices = #map}]} {
    %mul3A = arith.constant 16 : i32
    %mul3A_0 = arith.muli %arg0, %mul3A : i32
    %add3A = arith.addi %mul3A_0, %arg1 : i32
    %mul3A_1 = arith.constant 100 : i32
    %mul3A_2 = arith.muli %add3A, %mul3A_1 : i32
    "tpu.region"() ({
      %run_scoped3A = tpu.sem_alloc : memref<!tpu.dma_semaphore, #tpu.memory_space<semaphore_mem>>
      tpu.enqueue_dma source(%arg4 : memref<12800xf32, #tpu.memory_space<hbm>>) target(%arg6 : memref<12800xf32, #tpu.memory_space<vmem>>) target_semaphore(%run_scoped3A : memref<!tpu.dma_semaphore, #tpu.memory_space<semaphore_mem>>)
      tpu.wait_dma2 semaphore(%run_scoped3A : memref<!tpu.dma_semaphore, #tpu.memory_space<semaphore_mem>>) src(%arg4 : memref<12800xf32, #tpu.memory_space<hbm>>) dst(%arg6 : memref<12800xf32, #tpu.memory_space<vmem>>)
      tpu.yield
    }) : () -> ()
    %add3A_3 = arith.constant 0 : i32
    %add3A_4 = arith.addi %mul3A_2, %add3A_3 : i32
    %jit3A = arith.constant 16 : i32
    %div3A = arith.divsi %add3A_4, %jit3A : i32
    %sign3A = arith.constant 0 : i32
    %sign3A_5 = arith.cmpi sgt, %add3A_4, %sign3A : i32
    %sign3A_6 = arith.extui %sign3A_5 : i1 to i32
    %sign3A_7 = arith.constant 0 : i32
    %sign3A_8 = arith.cmpi slt, %add3A_4, %sign3A_7 : i32
    %sign3A_9 = arith.extui %sign3A_8 : i1 to i32
    %sign3A_10 = arith.subi %sign3A_6, %sign3A_9 : i32
    %sign3A_11 = arith.constant 0 : i32
    %sign3A_12 = arith.cmpi sgt, %jit3A, %sign3A_11 : i32
    %sign3A_13 = arith.extui %sign3A_12 : i1 to i32
    %sign3A_14 = arith.constant 0 : i32
    %sign3A_15 = arith.cmpi slt, %jit3A, %sign3A_14 : i32
    %sign3A_16 = arith.extui %sign3A_15 : i1 to i32
    %sign3A_17 = arith.subi %sign3A_13, %sign3A_16 : i32
    %ne3A = arith.cmpi ne, %sign3A_10, %sign3A_17 : i32
    %rem3A = arith.remsi %add3A_4, %jit3A : i32
    %ne3A_18 = arith.constant 0 : i32
    %ne3A_19 = arith.cmpi ne, %rem3A, %ne3A_18 : i32
    %and3A = arith.andi %ne3A, %ne3A_19 : i1
    %sub3A = arith.constant 1 : i32
    %sub3A_20 = arith.subi %div3A, %sub3A : i32
    %select_n3A = arith.select %and3A, %sub3A_20, %div3A : i32
    %jit3A_21 = arith.constant 16 : i32
    %eq3A = arith.constant 0 : i32
    %eq3A_22 = arith.cmpi eq, %jit3A_21, %eq3A : i32
    %jit3A_23 = arith.constant 1 : i32
    %select_n3A_24 = arith.select %eq3A_22, %jit3A_23, %jit3A_21 : i32
    %rem3A_25 = arith.remsi %add3A_4, %select_n3A_24 : i32
    %ne3A_26 = arith.constant 0 : i32
    %ne3A_27 = arith.cmpi ne, %rem3A_25, %ne3A_26 : i32
    %lt3A = arith.constant 0 : i32
    %lt3A_28 = arith.cmpi slt, %rem3A_25, %lt3A : i32
    %lt3A_29 = arith.constant 0 : i32
    %lt3A_30 = arith.cmpi slt, %select_n3A_24, %lt3A_29 : i32
    %ne3A_31 = arith.xori %lt3A_28, %lt3A_30 : i1
    %and3A_32 = arith.andi %ne3A_31, %ne3A_27 : i1
    %add3A_33 = arith.addi %rem3A_25, %select_n3A_24 : i32
    %select_n3A_34 = arith.select %and3A_32, %add3A_33, %rem3A_25 : i32
    %mul3A_35 = arith.constant 256 : i32
    %mul3A_36 = arith.muli %select_n3A_34, %mul3A_35 : i32
    %mul3A_37 = arith.constant 4096 : i32
    %mul3A_38 = arith.muli %select_n3A, %mul3A_37 : i32
    %add3A_39 = arith.addi %mul3A_38, %mul3A_36 : i32
    %dma_start3A = tpu.memref_slice %arg3[%add3A_39] : memref<819200xi32, #tpu.memory_space<hbm>> -> memref<256xi32, #tpu.memory_space<hbm>>
    %dma_start3A_40 = tpu.memref_slice %arg3[%add3A_39] : memref<819200xi32, #tpu.memory_space<hbm>> -> memref<256xi32, #tpu.memory_space<hbm>>
    tpu.enqueue_dma source(%dma_start3A_40 : memref<256xi32, #tpu.memory_space<hbm>>) target(%arg7 : memref<256xi32, #tpu.memory_space<vmem>>) target_semaphore(%arg15 : memref<!tpu.dma_semaphore, #tpu.memory_space<semaphore_mem>>)
    %dma_start3A_41 = arith.constant 0 : i32
    %dma_start3A_42 = tpu.memref_slice %arg2[%select_n3A, %dma_start3A_41, %mul3A_36] : memref<200x64x4096xf32, #tpu.memory_space<hbm>> -> memref<1x64x256xf32, #tpu.memory_space<hbm>>
    %dma_start3A_43 = tpu.memref_squeeze %dma_start3A_42 : memref<1x64x256xf32, #tpu.memory_space<hbm>> -> memref<64x256xf32, #tpu.memory_space<hbm>>
    %dma_start3A_44 = arith.constant 0 : i32
    %dma_start3A_45 = tpu.memref_slice %arg2[%select_n3A, %dma_start3A_44, %mul3A_36] : memref<200x64x4096xf32, #tpu.memory_space<hbm>> -> memref<1x64x256xf32, #tpu.memory_space<hbm>>
    %dma_start3A_46 = tpu.memref_squeeze %dma_start3A_45 : memref<1x64x256xf32, #tpu.memory_space<hbm>> -> memref<64x256xf32, #tpu.memory_space<hbm>>
    tpu.enqueue_dma source(%dma_start3A_46 : memref<64x256xf32, #tpu.memory_space<hbm>>) target(%arg11 : memref<64x256xf32, #tpu.memory_space<vmem>>) target_semaphore(%arg15 : memref<!tpu.dma_semaphore, #tpu.memory_space<semaphore_mem>>)
    %add3A_47 = arith.constant 1 : i32
    %add3A_48 = arith.addi %mul3A_2, %add3A_47 : i32
    %jit3A_49 = arith.constant 16 : i32
    %div3A_50 = arith.divsi %add3A_48, %jit3A_49 : i32
    %sign3A_51 = arith.constant 0 : i32
    %sign3A_52 = arith.cmpi sgt, %add3A_48, %sign3A_51 : i32
    %sign3A_53 = arith.extui %sign3A_52 : i1 to i32
    %sign3A_54 = arith.constant 0 : i32
    %sign3A_55 = arith.cmpi slt, %add3A_48, %sign3A_54 : i32
    %sign3A_56 = arith.extui %sign3A_55 : i1 to i32
    %sign3A_57 = arith.subi %sign3A_53, %sign3A_56 : i32
    %sign3A_58 = arith.constant 0 : i32
    %sign3A_59 = arith.cmpi sgt, %jit3A_49, %sign3A_58 : i32
    %sign3A_60 = arith.extui %sign3A_59 : i1 to i32
    %sign3A_61 = arith.constant 0 : i32
    %sign3A_62 = arith.cmpi slt, %jit3A_49, %sign3A_61 : i32
    %sign3A_63 = arith.extui %sign3A_62 : i1 to i32
    %sign3A_64 = arith.subi %sign3A_60, %sign3A_63 : i32
    %ne3A_65 = arith.cmpi ne, %sign3A_57, %sign3A_64 : i32
    %rem3A_66 = arith.remsi %add3A_48, %jit3A_49 : i32
    %ne3A_67 = arith.constant 0 : i32
    %ne3A_68 = arith.cmpi ne, %rem3A_66, %ne3A_67 : i32
    %and3A_69 = arith.andi %ne3A_65, %ne3A_68 : i1
    %sub3A_70 = arith.constant 1 : i32
    %sub3A_71 = arith.subi %div3A_50, %sub3A_70 : i32
    %select_n3A_72 = arith.select %and3A_69, %sub3A_71, %div3A_50 : i32
    %jit3A_73 = arith.constant 16 : i32
    %eq3A_74 = arith.constant 0 : i32
    %eq3A_75 = arith.cmpi eq, %jit3A_73, %eq3A_74 : i32
    %jit3A_76 = arith.constant 1 : i32
    %select_n3A_77 = arith.select %eq3A_75, %jit3A_76, %jit3A_73 : i32
    %rem3A_78 = arith.remsi %add3A_48, %select_n3A_77 : i32
    %ne3A_79 = arith.constant 0 : i32
    %ne3A_80 = arith.cmpi ne, %rem3A_78, %ne3A_79 : i32
    %lt3A_81 = arith.constant 0 : i32
    %lt3A_82 = arith.cmpi slt, %rem3A_78, %lt3A_81 : i32
    %lt3A_83 = arith.constant 0 : i32
    %lt3A_84 = arith.cmpi slt, %select_n3A_77, %lt3A_83 : i32
    %ne3A_85 = arith.xori %lt3A_82, %lt3A_84 : i1
    %and3A_86 = arith.andi %ne3A_85, %ne3A_80 : i1
    %add3A_87 = arith.addi %rem3A_78, %select_n3A_77 : i32
    %select_n3A_88 = arith.select %and3A_86, %add3A_87, %rem3A_78 : i32
    %mul3A_89 = arith.constant 256 : i32
    %mul3A_90 = arith.muli %select_n3A_88, %mul3A_89 : i32
    %mul3A_91 = arith.constant 4096 : i32
    %mul3A_92 = arith.muli %select_n3A_72, %mul3A_91 : i32
    %add3A_93 = arith.addi %mul3A_92, %mul3A_90 : i32
    %dma_start3A_94 = tpu.memref_slice %arg3[%add3A_93] : memref<819200xi32, #tpu.memory_space<hbm>> -> memref<256xi32, #tpu.memory_space<hbm>>
    %dma_start3A_95 = tpu.memref_slice %arg3[%add3A_93] : memref<819200xi32, #tpu.memory_space<hbm>> -> memref<256xi32, #tpu.memory_space<hbm>>
    tpu.enqueue_dma source(%dma_start3A_95 : memref<256xi32, #tpu.memory_space<hbm>>) target(%arg8 : memref<256xi32, #tpu.memory_space<vmem>>) target_semaphore(%arg16 : memref<!tpu.dma_semaphore, #tpu.memory_space<semaphore_mem>>)
    %dma_start3A_96 = arith.constant 0 : i32
    %dma_start3A_97 = tpu.memref_slice %arg2[%select_n3A_72, %dma_start3A_96, %mul3A_90] : memref<200x64x4096xf32, #tpu.memory_space<hbm>> -> memref<1x64x256xf32, #tpu.memory_space<hbm>>
    %dma_start3A_98 = tpu.memref_squeeze %dma_start3A_97 : memref<1x64x256xf32, #tpu.memory_space<hbm>> -> memref<64x256xf32, #tpu.memory_space<hbm>>
    %dma_start3A_99 = arith.constant 0 : i32
    %dma_start3A_100 = tpu.memref_slice %arg2[%select_n3A_72, %dma_start3A_99, %mul3A_90] : memref<200x64x4096xf32, #tpu.memory_space<hbm>> -> memref<1x64x256xf32, #tpu.memory_space<hbm>>
    %dma_start3A_101 = tpu.memref_squeeze %dma_start3A_100 : memref<1x64x256xf32, #tpu.memory_space<hbm>> -> memref<64x256xf32, #tpu.memory_space<hbm>>
    tpu.enqueue_dma source(%dma_start3A_101 : memref<64x256xf32, #tpu.memory_space<hbm>>) target(%arg12 : memref<64x256xf32, #tpu.memory_space<vmem>>) target_semaphore(%arg16 : memref<!tpu.dma_semaphore, #tpu.memory_space<semaphore_mem>>)
    %scan3A = arith.constant 0 : i32
    %scan3A_102 = arith.constant 0 : i32
    %scan3A_103 = arith.constant 25 : i32
    %scan3A_104 = arith.addi %scan3A_102, %scan3A_103 : i32
    %scan3A_105 = arith.constant 1 : i32
    scf.for %scan3A_306 = %scan3A_102 to %scan3A_104 step %scan3A_105  : i32 {
      %mul3A_307 = arith.constant 4 : i32
      %mul3A_308 = arith.muli %scan3A_306, %mul3A_307 : i32
      %add3A_309 = arith.constant 0 : i32
      %add3A_310 = arith.addi %mul3A_308, %add3A_309 : i32
      %add3A_311 = arith.constant 2 : i32
      %add3A_312 = arith.addi %add3A_310, %add3A_311 : i32
      %lt3A_313 = arith.constant 100 : i32
      %lt3A_314 = arith.cmpi slt, %add3A_312, %lt3A_313 : i32
      %convert_element_type3A = arith.extui %lt3A_314 : i1 to i32
      %cond3A = arith.constant 0 : i32
      %cond3A_315 = arith.cmpi ne, %convert_element_type3A, %cond3A : i32
      scf.if %cond3A_315 {
        %ge3A = arith.constant 2 : i32
        %ge3A_775 = arith.cmpi sge, %add3A_310, %ge3A : i32
        %convert_element_type3A_776 = arith.extui %ge3A_775 : i1 to i32
        %cond3A_777 = arith.constant 0 : i32
        %cond3A_778 = arith.cmpi ne, %convert_element_type3A_776, %cond3A_777 : i32
        scf.if %cond3A_778 {
          %sub3A_833 = arith.constant 2 : i32
          %sub3A_834 = arith.subi %add3A_310, %sub3A_833 : i32
          %add3A_835 = arith.addi %mul3A_2, %sub3A_834 : i32
          %jit3A_836 = arith.constant 16 : i32
          %div3A_837 = arith.divsi %add3A_835, %jit3A_836 : i32
          %sign3A_838 = arith.constant 0 : i32
          %sign3A_839 = arith.cmpi sgt, %add3A_835, %sign3A_838 : i32
          %sign3A_840 = arith.extui %sign3A_839 : i1 to i32
          %sign3A_841 = arith.constant 0 : i32
          %sign3A_842 = arith.cmpi slt, %add3A_835, %sign3A_841 : i32
          %sign3A_843 = arith.extui %sign3A_842 : i1 to i32
          %sign3A_844 = arith.subi %sign3A_840, %sign3A_843 : i32
          %sign3A_845 = arith.constant 0 : i32
          %sign3A_846 = arith.cmpi sgt, %jit3A_836, %sign3A_845 : i32
          %sign3A_847 = arith.extui %sign3A_846 : i1 to i32
          %sign3A_848 = arith.constant 0 : i32
          %sign3A_849 = arith.cmpi slt, %jit3A_836, %sign3A_848 : i32
          %sign3A_850 = arith.extui %sign3A_849 : i1 to i32
          %sign3A_851 = arith.subi %sign3A_847, %sign3A_850 : i32
          %ne3A_852 = arith.cmpi ne, %sign3A_844, %sign3A_851 : i32
          %rem3A_853 = arith.remsi %add3A_835, %jit3A_836 : i32
          %ne3A_854 = arith.constant 0 : i32
          %ne3A_855 = arith.cmpi ne, %rem3A_853, %ne3A_854 : i32
          %and3A_856 = arith.andi %ne3A_852, %ne3A_855 : i1
          %sub3A_857 = arith.constant 1 : i32
          %sub3A_858 = arith.subi %div3A_837, %sub3A_857 : i32
          %select_n3A_859 = arith.select %and3A_856, %sub3A_858, %div3A_837 : i32
          %jit3A_860 = arith.constant 16 : i32
          %eq3A_861 = arith.constant 0 : i32
          %eq3A_862 = arith.cmpi eq, %jit3A_860, %eq3A_861 : i32
          %jit3A_863 = arith.constant 1 : i32
          %select_n3A_864 = arith.select %eq3A_862, %jit3A_863, %jit3A_860 : i32
          %rem3A_865 = arith.remsi %add3A_835, %select_n3A_864 : i32
          %ne3A_866 = arith.constant 0 : i32
          %ne3A_867 = arith.cmpi ne, %rem3A_865, %ne3A_866 : i32
          %lt3A_868 = arith.constant 0 : i32
          %lt3A_869 = arith.cmpi slt, %rem3A_865, %lt3A_868 : i32
          %lt3A_870 = arith.constant 0 : i32
          %lt3A_871 = arith.cmpi slt, %select_n3A_864, %lt3A_870 : i32
          %ne3A_872 = arith.xori %lt3A_869, %lt3A_871 : i1
          %and3A_873 = arith.andi %ne3A_872, %ne3A_867 : i1
          %add3A_874 = arith.addi %rem3A_865, %select_n3A_864 : i32
          %select_n3A_875 = arith.select %and3A_873, %add3A_874, %rem3A_865 : i32
          %mul3A_876 = arith.constant 256 : i32
          %mul3A_877 = arith.muli %select_n3A_875, %mul3A_876 : i32
          %dma_wait3A_878 = arith.constant 0 : i32
          %dma_wait3A_879 = tpu.memref_slice %arg5[%select_n3A_859, %dma_wait3A_878, %mul3A_877] : memref<200x64x4096xf32, #tpu.memory_space<hbm>> -> memref<1x64x256xf32, #tpu.memory_space<hbm>>
          %dma_wait3A_880 = tpu.memref_squeeze %dma_wait3A_879 : memref<1x64x256xf32, #tpu.memory_space<hbm>> -> memref<64x256xf32, #tpu.memory_space<hbm>>
          %dma_wait3A_881 = arith.constant 0 : i32
          %dma_wait3A_882 = tpu.memref_slice %arg5[%select_n3A_859, %dma_wait3A_881, %mul3A_877] : memref<200x64x4096xf32, #tpu.memory_space<hbm>> -> memref<1x64x256xf32, #tpu.memory_space<hbm>>
          %dma_wait3A_883 = tpu.memref_squeeze %dma_wait3A_882 : memref<1x64x256xf32, #tpu.memory_space<hbm>> -> memref<64x256xf32, #tpu.memory_space<hbm>>
          tpu.wait_dma2 semaphore(%arg21 : memref<!tpu.dma_semaphore, #tpu.memory_space<semaphore_mem>>) src(%arg13 : memref<64x256xf32, #tpu.memory_space<vmem>>) dst(%dma_wait3A_883 : memref<64x256xf32, #tpu.memory_space<hbm>>)
        } else {
        }
        %add3A_779 = arith.addi %mul3A_2, %add3A_312 : i32
        %jit3A_780 = arith.constant 16 : i32
        %div3A_781 = arith.divsi %add3A_779, %jit3A_780 : i32
        %sign3A_782 = arith.constant 0 : i32
        %sign3A_783 = arith.cmpi sgt, %add3A_779, %sign3A_782 : i32
        %sign3A_784 = arith.extui %sign3A_783 : i1 to i32
        %sign3A_785 = arith.constant 0 : i32
        %sign3A_786 = arith.cmpi slt, %add3A_779, %sign3A_785 : i32
        %sign3A_787 = arith.extui %sign3A_786 : i1 to i32
        %sign3A_788 = arith.subi %sign3A_784, %sign3A_787 : i32
        %sign3A_789 = arith.constant 0 : i32
        %sign3A_790 = arith.cmpi sgt, %jit3A_780, %sign3A_789 : i32
        %sign3A_791 = arith.extui %sign3A_790 : i1 to i32
        %sign3A_792 = arith.constant 0 : i32
        %sign3A_793 = arith.cmpi slt, %jit3A_780, %sign3A_792 : i32
        %sign3A_794 = arith.extui %sign3A_793 : i1 to i32
        %sign3A_795 = arith.subi %sign3A_791, %sign3A_794 : i32
        %ne3A_796 = arith.cmpi ne, %sign3A_788, %sign3A_795 : i32
        %rem3A_797 = arith.remsi %add3A_779, %jit3A_780 : i32
        %ne3A_798 = arith.constant 0 : i32
        %ne3A_799 = arith.cmpi ne, %rem3A_797, %ne3A_798 : i32
        %and3A_800 = arith.andi %ne3A_796, %ne3A_799 : i1
        %sub3A_801 = arith.constant 1 : i32
        %sub3A_802 = arith.subi %div3A_781, %sub3A_801 : i32
        %select_n3A_803 = arith.select %and3A_800, %sub3A_802, %div3A_781 : i32
        %jit3A_804 = arith.constant 16 : i32
        %eq3A_805 = arith.constant 0 : i32
        %eq3A_806 = arith.cmpi eq, %jit3A_804, %eq3A_805 : i32
        %jit3A_807 = arith.constant 1 : i32
        %select_n3A_808 = arith.select %eq3A_806, %jit3A_807, %jit3A_804 : i32
        %rem3A_809 = arith.remsi %add3A_779, %select_n3A_808 : i32
        %ne3A_810 = arith.constant 0 : i32
        %ne3A_811 = arith.cmpi ne, %rem3A_809, %ne3A_810 : i32
        %lt3A_812 = arith.constant 0 : i32
        %lt3A_813 = arith.cmpi slt, %rem3A_809, %lt3A_812 : i32
        %lt3A_814 = arith.constant 0 : i32
        %lt3A_815 = arith.cmpi slt, %select_n3A_808, %lt3A_814 : i32
        %ne3A_816 = arith.xori %lt3A_813, %lt3A_815 : i1
        %and3A_817 = arith.andi %ne3A_816, %ne3A_811 : i1
        %add3A_818 = arith.addi %rem3A_809, %select_n3A_808 : i32
        %select_n3A_819 = arith.select %and3A_817, %add3A_818, %rem3A_809 : i32
        %mul3A_820 = arith.constant 256 : i32
        %mul3A_821 = arith.muli %select_n3A_819, %mul3A_820 : i32
        %mul3A_822 = arith.constant 4096 : i32
        %mul3A_823 = arith.muli %select_n3A_803, %mul3A_822 : i32
        %add3A_824 = arith.addi %mul3A_823, %mul3A_821 : i32
        %dma_start3A_825 = tpu.memref_slice %arg3[%add3A_824] : memref<819200xi32, #tpu.memory_space<hbm>> -> memref<256xi32, #tpu.memory_space<hbm>>
        %dma_start3A_826 = tpu.memref_slice %arg3[%add3A_824] : memref<819200xi32, #tpu.memory_space<hbm>> -> memref<256xi32, #tpu.memory_space<hbm>>
        tpu.enqueue_dma source(%dma_start3A_826 : memref<256xi32, #tpu.memory_space<hbm>>) target(%arg9 : memref<256xi32, #tpu.memory_space<vmem>>) target_semaphore(%arg17 : memref<!tpu.dma_semaphore, #tpu.memory_space<semaphore_mem>>)
        %dma_start3A_827 = arith.constant 0 : i32
        %dma_start3A_828 = tpu.memref_slice %arg2[%select_n3A_803, %dma_start3A_827, %mul3A_821] : memref<200x64x4096xf32, #tpu.memory_space<hbm>> -> memref<1x64x256xf32, #tpu.memory_space<hbm>>
        %dma_start3A_829 = tpu.memref_squeeze %dma_start3A_828 : memref<1x64x256xf32, #tpu.memory_space<hbm>> -> memref<64x256xf32, #tpu.memory_space<hbm>>
        %dma_start3A_830 = arith.constant 0 : i32
        %dma_start3A_831 = tpu.memref_slice %arg2[%select_n3A_803, %dma_start3A_830, %mul3A_821] : memref<200x64x4096xf32, #tpu.memory_space<hbm>> -> memref<1x64x256xf32, #tpu.memory_space<hbm>>
        %dma_start3A_832 = tpu.memref_squeeze %dma_start3A_831 : memref<1x64x256xf32, #tpu.memory_space<hbm>> -> memref<64x256xf32, #tpu.memory_space<hbm>>
        tpu.enqueue_dma source(%dma_start3A_832 : memref<64x256xf32, #tpu.memory_space<hbm>>) target(%arg13 : memref<64x256xf32, #tpu.memory_space<vmem>>) target_semaphore(%arg17 : memref<!tpu.dma_semaphore, #tpu.memory_space<semaphore_mem>>)
      } else {
      }
      %add3A_316 = arith.addi %mul3A_2, %add3A_310 : i32
      %jit3A_317 = arith.constant 16 : i32
      %div3A_318 = arith.divsi %add3A_316, %jit3A_317 : i32
      %sign3A_319 = arith.constant 0 : i32
      %sign3A_320 = arith.cmpi sgt, %add3A_316, %sign3A_319 : i32
      %sign3A_321 = arith.extui %sign3A_320 : i1 to i32
      %sign3A_322 = arith.constant 0 : i32
      %sign3A_323 = arith.cmpi slt, %add3A_316, %sign3A_322 : i32
      %sign3A_324 = arith.extui %sign3A_323 : i1 to i32
      %sign3A_325 = arith.subi %sign3A_321, %sign3A_324 : i32
      %sign3A_326 = arith.constant 0 : i32
      %sign3A_327 = arith.cmpi sgt, %jit3A_317, %sign3A_326 : i32
      %sign3A_328 = arith.extui %sign3A_327 : i1 to i32
      %sign3A_329 = arith.constant 0 : i32
      %sign3A_330 = arith.cmpi slt, %jit3A_317, %sign3A_329 : i32
      %sign3A_331 = arith.extui %sign3A_330 : i1 to i32
      %sign3A_332 = arith.subi %sign3A_328, %sign3A_331 : i32
      %ne3A_333 = arith.cmpi ne, %sign3A_325, %sign3A_332 : i32
      %rem3A_334 = arith.remsi %add3A_316, %jit3A_317 : i32
      %ne3A_335 = arith.constant 0 : i32
      %ne3A_336 = arith.cmpi ne, %rem3A_334, %ne3A_335 : i32
      %and3A_337 = arith.andi %ne3A_333, %ne3A_336 : i1
      %sub3A_338 = arith.constant 1 : i32
      %sub3A_339 = arith.subi %div3A_318, %sub3A_338 : i32
      %select_n3A_340 = arith.select %and3A_337, %sub3A_339, %div3A_318 : i32
      %jit3A_341 = arith.constant 16 : i32
      %eq3A_342 = arith.constant 0 : i32
      %eq3A_343 = arith.cmpi eq, %jit3A_341, %eq3A_342 : i32
      %jit3A_344 = arith.constant 1 : i32
      %select_n3A_345 = arith.select %eq3A_343, %jit3A_344, %jit3A_341 : i32
      %rem3A_346 = arith.remsi %add3A_316, %select_n3A_345 : i32
      %ne3A_347 = arith.constant 0 : i32
      %ne3A_348 = arith.cmpi ne, %rem3A_346, %ne3A_347 : i32
      %lt3A_349 = arith.constant 0 : i32
      %lt3A_350 = arith.cmpi slt, %rem3A_346, %lt3A_349 : i32
      %lt3A_351 = arith.constant 0 : i32
      %lt3A_352 = arith.cmpi slt, %select_n3A_345, %lt3A_351 : i32
      %ne3A_353 = arith.xori %lt3A_350, %lt3A_352 : i1
      %and3A_354 = arith.andi %ne3A_353, %ne3A_348 : i1
      %add3A_355 = arith.addi %rem3A_346, %select_n3A_345 : i32
      %select_n3A_356 = arith.select %and3A_354, %add3A_355, %rem3A_346 : i32
      %mul3A_357 = arith.constant 256 : i32
      %mul3A_358 = arith.muli %select_n3A_356, %mul3A_357 : i32
      %mul3A_359 = arith.constant 4096 : i32
      %mul3A_360 = arith.muli %select_n3A_340, %mul3A_359 : i32
      %add3A_361 = arith.addi %mul3A_360, %mul3A_358 : i32
      %dma_wait3A_362 = tpu.memref_slice %arg3[%add3A_361] : memref<819200xi32, #tpu.memory_space<hbm>> -> memref<256xi32, #tpu.memory_space<hbm>>
      %dma_wait3A_363 = tpu.memref_slice %arg3[%add3A_361] : memref<819200xi32, #tpu.memory_space<hbm>> -> memref<256xi32, #tpu.memory_space<hbm>>
      tpu.wait_dma2 semaphore(%arg15 : memref<!tpu.dma_semaphore, #tpu.memory_space<semaphore_mem>>) src(%dma_wait3A_363 : memref<256xi32, #tpu.memory_space<hbm>>) dst(%arg7 : memref<256xi32, #tpu.memory_space<vmem>>)
      %dma_wait3A_364 = arith.constant 0 : i32
      %dma_wait3A_365 = tpu.memref_slice %arg2[%select_n3A_340, %dma_wait3A_364, %mul3A_358] : memref<200x64x4096xf32, #tpu.memory_space<hbm>> -> memref<1x64x256xf32, #tpu.memory_space<hbm>>
      %dma_wait3A_366 = tpu.memref_squeeze %dma_wait3A_365 : memref<1x64x256xf32, #tpu.memory_space<hbm>> -> memref<64x256xf32, #tpu.memory_space<hbm>>
      %dma_wait3A_367 = arith.constant 0 : i32
      %dma_wait3A_368 = tpu.memref_slice %arg2[%select_n3A_340, %dma_wait3A_367, %mul3A_358] : memref<200x64x4096xf32, #tpu.memory_space<hbm>> -> memref<1x64x256xf32, #tpu.memory_space<hbm>>
      %dma_wait3A_369 = tpu.memref_squeeze %dma_wait3A_368 : memref<1x64x256xf32, #tpu.memory_space<hbm>> -> memref<64x256xf32, #tpu.memory_space<hbm>>
      tpu.wait_dma2 semaphore(%arg15 : memref<!tpu.dma_semaphore, #tpu.memory_space<semaphore_mem>>) src(%dma_wait3A_369 : memref<64x256xf32, #tpu.memory_space<hbm>>) dst(%arg11 : memref<64x256xf32, #tpu.memory_space<vmem>>)
      %iota3A = tpu.iota {dimensions = array<i32: 0>} : vector<16xi32>
      %parallel_loop3A = arith.constant 0 : i32
      %parallel_loop3A_370 = arith.constant 16 : i32
      %parallel_loop3A_371 = arith.constant 1 : i32
      scf.for %parallel_loop3A_775 = %parallel_loop3A to %parallel_loop3A_370 step %parallel_loop3A_371  : i32 {
        %parallel_loop3A_776 = arith.constant 16 : i32
        %parallel_loop3A_777 = arith.muli %parallel_loop3A_775, %parallel_loop3A_776 : i32
        %parallel_loop3A_778 = arith.index_cast %parallel_loop3A_777 : i32 to index
        %parallel_loop3A_779 = tpu.vector_load %arg7[%parallel_loop3A_778] {strides = array<i32>} : memref<256xi32, #tpu.memory_space<vmem>>, vector<16xi32>,
        %parallel_loop3A_780 = vector.broadcast %parallel_loop3A_777 : i32 to vector<16xi32>
        %parallel_loop3A_781 = arith.addi %parallel_loop3A_780, %iota3A : vector<16xi32>
        %parallel_loop3A_782 = arith.constant 0 : i32
        %parallel_loop3A_783 = arith.constant 64 : i32
        %parallel_loop3A_784 = arith.constant 1 : i32
        scf.for %parallel_loop3A_785 = %parallel_loop3A_782 to %parallel_loop3A_783 step %parallel_loop3A_784  : i32 {
          %parallel_loop3A_786 = arith.constant 200 : i32
          %parallel_loop3A_787 = arith.muli %parallel_loop3A_785, %parallel_loop3A_786 : i32
          %parallel_loop3A_788 = vector.broadcast %parallel_loop3A_787 : i32 to vector<16xi32>
          %parallel_loop3A_789 = arith.addi %parallel_loop3A_779, %parallel_loop3A_788 : vector<16xi32>
          %parallel_loop3A_790 = tpu.vector_load_idx %arg6[%parallel_loop3A_789] : memref<12800xf32, #tpu.memory_space<vmem>>[vector<16xi32>], vector<16xf32>,
          %parallel_loop3A_791 = arith.constant 1 : i32
          %parallel_loop3A_792 = vector.broadcast %parallel_loop3A_791 : i32 to vector<16xi32>
          %parallel_loop3A_793 = vector.broadcast %parallel_loop3A_785 : i32 to vector<16xi32>
          %parallel_loop3A_794 = arith.muli %parallel_loop3A_792, %parallel_loop3A_793 : vector<16xi32>
          tpu.vector_store_idx %arg11[%parallel_loop3A_794, %parallel_loop3A_781], %parallel_loop3A_790 {add = true} : memref<64x256xf32, #tpu.memory_space<vmem>>[vector<16xi32>, vector<16xi32>], vector<16xf32>,
        } {sc.loop_unroll_factor = 8 : i64, sc.parallel_access}
      } {sc.loop_unroll_factor = 1 : i64, sc.parallel_access}
      %add3A_372 = arith.addi %mul3A_2, %add3A_310 : i32
      %jit3A_373 = arith.constant 16 : i32
      %div3A_374 = arith.divsi %add3A_372, %jit3A_373 : i32
      %sign3A_375 = arith.constant 0 : i32
      %sign3A_376 = arith.cmpi sgt, %add3A_372, %sign3A_375 : i32
      %sign3A_377 = arith.extui %sign3A_376 : i1 to i32
      %sign3A_378 = arith.constant 0 : i32
      %sign3A_379 = arith.cmpi slt, %add3A_372, %sign3A_378 : i32
      %sign3A_380 = arith.extui %sign3A_379 : i1 to i32
      %sign3A_381 = arith.subi %sign3A_377, %sign3A_380 : i32
      %sign3A_382 = arith.constant 0 : i32
      %sign3A_383 = arith.cmpi sgt, %jit3A_373, %sign3A_382 : i32
      %sign3A_384 = arith.extui %sign3A_383 : i1 to i32
      %sign3A_385 = arith.constant 0 : i32
      %sign3A_386 = arith.cmpi slt, %jit3A_373, %sign3A_385 : i32
      %sign3A_387 = arith.extui %sign3A_386 : i1 to i32
      %sign3A_388 = arith.subi %sign3A_384, %sign3A_387 : i32
      %ne3A_389 = arith.cmpi ne, %sign3A_381, %sign3A_388 : i32
      %rem3A_390 = arith.remsi %add3A_372, %jit3A_373 : i32
      %ne3A_391 = arith.constant 0 : i32
      %ne3A_392 = arith.cmpi ne, %rem3A_390, %ne3A_391 : i32
      %and3A_393 = arith.andi %ne3A_389, %ne3A_392 : i1
      %sub3A_394 = arith.constant 1 : i32
      %sub3A_395 = arith.subi %div3A_374, %sub3A_394 : i32
      %select_n3A_396 = arith.select %and3A_393, %sub3A_395, %div3A_374 : i32
      %jit3A_397 = arith.constant 16 : i32
      %eq3A_398 = arith.constant 0 : i32
      %eq3A_399 = arith.cmpi eq, %jit3A_397, %eq3A_398 : i32
      %jit3A_400 = arith.constant 1 : i32
      %select_n3A_401 = arith.select %eq3A_399, %jit3A_400, %jit3A_397 : i32
      %rem3A_402 = arith.remsi %add3A_372, %select_n3A_401 : i32
      %ne3A_403 = arith.constant 0 : i32
      %ne3A_404 = arith.cmpi ne, %rem3A_402, %ne3A_403 : i32
      %lt3A_405 = arith.constant 0 : i32
      %lt3A_406 = arith.cmpi slt, %rem3A_402, %lt3A_405 : i32
      %lt3A_407 = arith.constant 0 : i32
      %lt3A_408 = arith.cmpi slt, %select_n3A_401, %lt3A_407 : i32
      %ne3A_409 = arith.xori %lt3A_406, %lt3A_408 : i1
      %and3A_410 = arith.andi %ne3A_409, %ne3A_404 : i1
      %add3A_411 = arith.addi %rem3A_402, %select_n3A_401 : i32
      %select_n3A_412 = arith.select %and3A_410, %add3A_411, %rem3A_402 : i32
      %mul3A_413 = arith.constant 256 : i32
      %mul3A_414 = arith.muli %select_n3A_412, %mul3A_413 : i32
      %dma_start3A_415 = arith.constant 0 : i32
      %dma_start3A_416 = tpu.memref_slice %arg5[%select_n3A_396, %dma_start3A_415, %mul3A_414] : memref<200x64x4096xf32, #tpu.memory_space<hbm>> -> memref<1x64x256xf32, #tpu.memory_space<hbm>>
      %dma_start3A_417 = tpu.memref_squeeze %dma_start3A_416 : memref<1x64x256xf32, #tpu.memory_space<hbm>> -> memref<64x256xf32, #tpu.memory_space<hbm>>
      %dma_start3A_418 = arith.constant 0 : i32
      %dma_start3A_419 = tpu.memref_slice %arg5[%select_n3A_396, %dma_start3A_418, %mul3A_414] : memref<200x64x4096xf32, #tpu.memory_space<hbm>> -> memref<1x64x256xf32, #tpu.memory_space<hbm>>
      %dma_start3A_420 = tpu.memref_squeeze %dma_start3A_419 : memref<1x64x256xf32, #tpu.memory_space<hbm>> -> memref<64x256xf32, #tpu.memory_space<hbm>>
      tpu.enqueue_dma source(%arg11 : memref<64x256xf32, #tpu.memory_space<vmem>>) target(%dma_start3A_420 : memref<64x256xf32, #tpu.memory_space<hbm>>) target_semaphore(%arg19 : memref<!tpu.dma_semaphore, #tpu.memory_space<semaphore_mem>>)
      %mul3A_421 = arith.constant 4 : i32
      %mul3A_422 = arith.muli %scan3A_306, %mul3A_421 : i32
      %add3A_423 = arith.constant 1 : i32
      %add3A_424 = arith.addi %mul3A_422, %add3A_423 : i32
      %add3A_425 = arith.constant 2 : i32
      %add3A_426 = arith.addi %add3A_424, %add3A_425 : i32
      %lt3A_427 = arith.constant 100 : i32
      %lt3A_428 = arith.cmpi slt, %add3A_426, %lt3A_427 : i32
      %convert_element_type3A_429 = arith.extui %lt3A_428 : i1 to i32
      %cond3A_430 = arith.constant 0 : i32
      %cond3A_431 = arith.cmpi ne, %convert_element_type3A_429, %cond3A_430 : i32
      scf.if %cond3A_431 {
        %ge3A = arith.constant 2 : i32
        %ge3A_775 = arith.cmpi sge, %add3A_424, %ge3A : i32
        %convert_element_type3A_776 = arith.extui %ge3A_775 : i1 to i32
        %cond3A_777 = arith.constant 0 : i32
        %cond3A_778 = arith.cmpi ne, %convert_element_type3A_776, %cond3A_777 : i32
        scf.if %cond3A_778 {
          %sub3A_833 = arith.constant 2 : i32
          %sub3A_834 = arith.subi %add3A_424, %sub3A_833 : i32
          %add3A_835 = arith.addi %mul3A_2, %sub3A_834 : i32
          %jit3A_836 = arith.constant 16 : i32
          %div3A_837 = arith.divsi %add3A_835, %jit3A_836 : i32
          %sign3A_838 = arith.constant 0 : i32
          %sign3A_839 = arith.cmpi sgt, %add3A_835, %sign3A_838 : i32
          %sign3A_840 = arith.extui %sign3A_839 : i1 to i32
          %sign3A_841 = arith.constant 0 : i32
          %sign3A_842 = arith.cmpi slt, %add3A_835, %sign3A_841 : i32
          %sign3A_843 = arith.extui %sign3A_842 : i1 to i32
          %sign3A_844 = arith.subi %sign3A_840, %sign3A_843 : i32
          %sign3A_845 = arith.constant 0 : i32
          %sign3A_846 = arith.cmpi sgt, %jit3A_836, %sign3A_845 : i32
          %sign3A_847 = arith.extui %sign3A_846 : i1 to i32
          %sign3A_848 = arith.constant 0 : i32
          %sign3A_849 = arith.cmpi slt, %jit3A_836, %sign3A_848 : i32
          %sign3A_850 = arith.extui %sign3A_849 : i1 to i32
          %sign3A_851 = arith.subi %sign3A_847, %sign3A_850 : i32
          %ne3A_852 = arith.cmpi ne, %sign3A_844, %sign3A_851 : i32
          %rem3A_853 = arith.remsi %add3A_835, %jit3A_836 : i32
          %ne3A_854 = arith.constant 0 : i32
          %ne3A_855 = arith.cmpi ne, %rem3A_853, %ne3A_854 : i32
          %and3A_856 = arith.andi %ne3A_852, %ne3A_855 : i1
          %sub3A_857 = arith.constant 1 : i32
          %sub3A_858 = arith.subi %div3A_837, %sub3A_857 : i32
          %select_n3A_859 = arith.select %and3A_856, %sub3A_858, %div3A_837 : i32
          %jit3A_860 = arith.constant 16 : i32
          %eq3A_861 = arith.constant 0 : i32
          %eq3A_862 = arith.cmpi eq, %jit3A_860, %eq3A_861 : i32
          %jit3A_863 = arith.constant 1 : i32
          %select_n3A_864 = arith.select %eq3A_862, %jit3A_863, %jit3A_860 : i32
          %rem3A_865 = arith.remsi %add3A_835, %select_n3A_864 : i32
          %ne3A_866 = arith.constant 0 : i32
          %ne3A_867 = arith.cmpi ne, %rem3A_865, %ne3A_866 : i32
          %lt3A_868 = arith.constant 0 : i32
          %lt3A_869 = arith.cmpi slt, %rem3A_865, %lt3A_868 : i32
          %lt3A_870 = arith.constant 0 : i32
          %lt3A_871 = arith.cmpi slt, %select_n3A_864, %lt3A_870 : i32
          %ne3A_872 = arith.xori %lt3A_869, %lt3A_871 : i1
          %and3A_873 = arith.andi %ne3A_872, %ne3A_867 : i1
          %add3A_874 = arith.addi %rem3A_865, %select_n3A_864 : i32
          %select_n3A_875 = arith.select %and3A_873, %add3A_874, %rem3A_865 : i32
          %mul3A_876 = arith.constant 256 : i32
          %mul3A_877 = arith.muli %select_n3A_875, %mul3A_876 : i32
          %dma_wait3A_878 = arith.constant 0 : i32
          %dma_wait3A_879 = tpu.memref_slice %arg5[%select_n3A_859, %dma_wait3A_878, %mul3A_877] : memref<200x64x4096xf32, #tpu.memory_space<hbm>> -> memref<1x64x256xf32, #tpu.memory_space<hbm>>
          %dma_wait3A_880 = tpu.memref_squeeze %dma_wait3A_879 : memref<1x64x256xf32, #tpu.memory_space<hbm>> -> memref<64x256xf32, #tpu.memory_space<hbm>>
          %dma_wait3A_881 = arith.constant 0 : i32
          %dma_wait3A_882 = tpu.memref_slice %arg5[%select_n3A_859, %dma_wait3A_881, %mul3A_877] : memref<200x64x4096xf32, #tpu.memory_space<hbm>> -> memref<1x64x256xf32, #tpu.memory_space<hbm>>
          %dma_wait3A_883 = tpu.memref_squeeze %dma_wait3A_882 : memref<1x64x256xf32, #tpu.memory_space<hbm>> -> memref<64x256xf32, #tpu.memory_space<hbm>>
          tpu.wait_dma2 semaphore(%arg22 : memref<!tpu.dma_semaphore, #tpu.memory_space<semaphore_mem>>) src(%arg14 : memref<64x256xf32, #tpu.memory_space<vmem>>) dst(%dma_wait3A_883 : memref<64x256xf32, #tpu.memory_space<hbm>>)
        } else {
        }
        %add3A_779 = arith.addi %mul3A_2, %add3A_426 : i32
        %jit3A_780 = arith.constant 16 : i32
        %div3A_781 = arith.divsi %add3A_779, %jit3A_780 : i32
        %sign3A_782 = arith.constant 0 : i32
        %sign3A_783 = arith.cmpi sgt, %add3A_779, %sign3A_782 : i32
        %sign3A_784 = arith.extui %sign3A_783 : i1 to i32
        %sign3A_785 = arith.constant 0 : i32
        %sign3A_786 = arith.cmpi slt, %add3A_779, %sign3A_785 : i32
        %sign3A_787 = arith.extui %sign3A_786 : i1 to i32
        %sign3A_788 = arith.subi %sign3A_784, %sign3A_787 : i32
        %sign3A_789 = arith.constant 0 : i32
        %sign3A_790 = arith.cmpi sgt, %jit3A_780, %sign3A_789 : i32
        %sign3A_791 = arith.extui %sign3A_790 : i1 to i32
        %sign3A_792 = arith.constant 0 : i32
        %sign3A_793 = arith.cmpi slt, %jit3A_780, %sign3A_792 : i32
        %sign3A_794 = arith.extui %sign3A_793 : i1 to i32
        %sign3A_795 = arith.subi %sign3A_791, %sign3A_794 : i32
        %ne3A_796 = arith.cmpi ne, %sign3A_788, %sign3A_795 : i32
        %rem3A_797 = arith.remsi %add3A_779, %jit3A_780 : i32
        %ne3A_798 = arith.constant 0 : i32
        %ne3A_799 = arith.cmpi ne, %rem3A_797, %ne3A_798 : i32
        %and3A_800 = arith.andi %ne3A_796, %ne3A_799 : i1
        %sub3A_801 = arith.constant 1 : i32
        %sub3A_802 = arith.subi %div3A_781, %sub3A_801 : i32
        %select_n3A_803 = arith.select %and3A_800, %sub3A_802, %div3A_781 : i32
        %jit3A_804 = arith.constant 16 : i32
        %eq3A_805 = arith.constant 0 : i32
        %eq3A_806 = arith.cmpi eq, %jit3A_804, %eq3A_805 : i32
        %jit3A_807 = arith.constant 1 : i32
        %select_n3A_808 = arith.select %eq3A_806, %jit3A_807, %jit3A_804 : i32
        %rem3A_809 = arith.remsi %add3A_779, %select_n3A_808 : i32
        %ne3A_810 = arith.constant 0 : i32
        %ne3A_811 = arith.cmpi ne, %rem3A_809, %ne3A_810 : i32
        %lt3A_812 = arith.constant 0 : i32
        %lt3A_813 = arith.cmpi slt, %rem3A_809, %lt3A_812 : i32
        %lt3A_814 = arith.constant 0 : i32
        %lt3A_815 = arith.cmpi slt, %select_n3A_808, %lt3A_814 : i32
        %ne3A_816 = arith.xori %lt3A_813, %lt3A_815 : i1
        %and3A_817 = arith.andi %ne3A_816, %ne3A_811 : i1
        %add3A_818 = arith.addi %rem3A_809, %select_n3A_808 : i32
        %select_n3A_819 = arith.select %and3A_817, %add3A_818, %rem3A_809 : i32
        %mul3A_820 = arith.constant 256 : i32
        %mul3A_821 = arith.muli %select_n3A_819, %mul3A_820 : i32
        %mul3A_822 = arith.constant 4096 : i32
        %mul3A_823 = arith.muli %select_n3A_803, %mul3A_822 : i32
        %add3A_824 = arith.addi %mul3A_823, %mul3A_821 : i32
        %dma_start3A_825 = tpu.memref_slice %arg3[%add3A_824] : memref<819200xi32, #tpu.memory_space<hbm>> -> memref<256xi32, #tpu.memory_space<hbm>>
        %dma_start3A_826 = tpu.memref_slice %arg3[%add3A_824] : memref<819200xi32, #tpu.memory_space<hbm>> -> memref<256xi32, #tpu.memory_space<hbm>>
        tpu.enqueue_dma source(%dma_start3A_826 : memref<256xi32, #tpu.memory_space<hbm>>) target(%arg10 : memref<256xi32, #tpu.memory_space<vmem>>) target_semaphore(%arg18 : memref<!tpu.dma_semaphore, #tpu.memory_space<semaphore_mem>>)
        %dma_start3A_827 = arith.constant 0 : i32
        %dma_start3A_828 = tpu.memref_slice %arg2[%select_n3A_803, %dma_start3A_827, %mul3A_821] : memref<200x64x4096xf32, #tpu.memory_space<hbm>> -> memref<1x64x256xf32, #tpu.memory_space<hbm>>
        %dma_start3A_829 = tpu.memref_squeeze %dma_start3A_828 : memref<1x64x256xf32, #tpu.memory_space<hbm>> -> memref<64x256xf32, #tpu.memory_space<hbm>>
        %dma_start3A_830 = arith.constant 0 : i32
        %dma_start3A_831 = tpu.memref_slice %arg2[%select_n3A_803, %dma_start3A_830, %mul3A_821] : memref<200x64x4096xf32, #tpu.memory_space<hbm>> -> memref<1x64x256xf32, #tpu.memory_space<hbm>>
        %dma_start3A_832 = tpu.memref_squeeze %dma_start3A_831 : memref<1x64x256xf32, #tpu.memory_space<hbm>> -> memref<64x256xf32, #tpu.memory_space<hbm>>
        tpu.enqueue_dma source(%dma_start3A_832 : memref<64x256xf32, #tpu.memory_space<hbm>>) target(%arg14 : memref<64x256xf32, #tpu.memory_space<vmem>>) target_semaphore(%arg18 : memref<!tpu.dma_semaphore, #tpu.memory_space<semaphore_mem>>)
      } else {
      }
      %add3A_432 = arith.addi %mul3A_2, %add3A_424 : i32
      %jit3A_433 = arith.constant 16 : i32
      %div3A_434 = arith.divsi %add3A_432, %jit3A_433 : i32
      %sign3A_435 = arith.constant 0 : i32
      %sign3A_436 = arith.cmpi sgt, %add3A_432, %sign3A_435 : i32
      %sign3A_437 = arith.extui %sign3A_436 : i1 to i32
      %sign3A_438 = arith.constant 0 : i32
      %sign3A_439 = arith.cmpi slt, %add3A_432, %sign3A_438 : i32
      %sign3A_440 = arith.extui %sign3A_439 : i1 to i32
      %sign3A_441 = arith.subi %sign3A_437, %sign3A_440 : i32
      %sign3A_442 = arith.constant 0 : i32
      %sign3A_443 = arith.cmpi sgt, %jit3A_433, %sign3A_442 : i32
      %sign3A_444 = arith.extui %sign3A_443 : i1 to i32
      %sign3A_445 = arith.constant 0 : i32
      %sign3A_446 = arith.cmpi slt, %jit3A_433, %sign3A_445 : i32
      %sign3A_447 = arith.extui %sign3A_446 : i1 to i32
      %sign3A_448 = arith.subi %sign3A_444, %sign3A_447 : i32
      %ne3A_449 = arith.cmpi ne, %sign3A_441, %sign3A_448 : i32
      %rem3A_450 = arith.remsi %add3A_432, %jit3A_433 : i32
      %ne3A_451 = arith.constant 0 : i32
      %ne3A_452 = arith.cmpi ne, %rem3A_450, %ne3A_451 : i32
      %and3A_453 = arith.andi %ne3A_449, %ne3A_452 : i1
      %sub3A_454 = arith.constant 1 : i32
      %sub3A_455 = arith.subi %div3A_434, %sub3A_454 : i32
      %select_n3A_456 = arith.select %and3A_453, %sub3A_455, %div3A_434 : i32
      %jit3A_457 = arith.constant 16 : i32
      %eq3A_458 = arith.constant 0 : i32
      %eq3A_459 = arith.cmpi eq, %jit3A_457, %eq3A_458 : i32
      %jit3A_460 = arith.constant 1 : i32
      %select_n3A_461 = arith.select %eq3A_459, %jit3A_460, %jit3A_457 : i32
      %rem3A_462 = arith.remsi %add3A_432, %select_n3A_461 : i32
      %ne3A_463 = arith.constant 0 : i32
      %ne3A_464 = arith.cmpi ne, %rem3A_462, %ne3A_463 : i32
      %lt3A_465 = arith.constant 0 : i32
      %lt3A_466 = arith.cmpi slt, %rem3A_462, %lt3A_465 : i32
      %lt3A_467 = arith.constant 0 : i32
      %lt3A_468 = arith.cmpi slt, %select_n3A_461, %lt3A_467 : i32
      %ne3A_469 = arith.xori %lt3A_466, %lt3A_468 : i1
      %and3A_470 = arith.andi %ne3A_469, %ne3A_464 : i1
      %add3A_471 = arith.addi %rem3A_462, %select_n3A_461 : i32
      %select_n3A_472 = arith.select %and3A_470, %add3A_471, %rem3A_462 : i32
      %mul3A_473 = arith.constant 256 : i32
      %mul3A_474 = arith.muli %select_n3A_472, %mul3A_473 : i32
      %mul3A_475 = arith.constant 4096 : i32
      %mul3A_476 = arith.muli %select_n3A_456, %mul3A_475 : i32
      %add3A_477 = arith.addi %mul3A_476, %mul3A_474 : i32
      %dma_wait3A_478 = tpu.memref_slice %arg3[%add3A_477] : memref<819200xi32, #tpu.memory_space<hbm>> -> memref<256xi32, #tpu.memory_space<hbm>>
      %dma_wait3A_479 = tpu.memref_slice %arg3[%add3A_477] : memref<819200xi32, #tpu.memory_space<hbm>> -> memref<256xi32, #tpu.memory_space<hbm>>
      tpu.wait_dma2 semaphore(%arg16 : memref<!tpu.dma_semaphore, #tpu.memory_space<semaphore_mem>>) src(%dma_wait3A_479 : memref<256xi32, #tpu.memory_space<hbm>>) dst(%arg8 : memref<256xi32, #tpu.memory_space<vmem>>)
      %dma_wait3A_480 = arith.constant 0 : i32
      %dma_wait3A_481 = tpu.memref_slice %arg2[%select_n3A_456, %dma_wait3A_480, %mul3A_474] : memref<200x64x4096xf32, #tpu.memory_space<hbm>> -> memref<1x64x256xf32, #tpu.memory_space<hbm>>
      %dma_wait3A_482 = tpu.memref_squeeze %dma_wait3A_481 : memref<1x64x256xf32, #tpu.memory_space<hbm>> -> memref<64x256xf32, #tpu.memory_space<hbm>>
      %dma_wait3A_483 = arith.constant 0 : i32
      %dma_wait3A_484 = tpu.memref_slice %arg2[%select_n3A_456, %dma_wait3A_483, %mul3A_474] : memref<200x64x4096xf32, #tpu.memory_space<hbm>> -> memref<1x64x256xf32, #tpu.memory_space<hbm>>
      %dma_wait3A_485 = tpu.memref_squeeze %dma_wait3A_484 : memref<1x64x256xf32, #tpu.memory_space<hbm>> -> memref<64x256xf32, #tpu.memory_space<hbm>>
      tpu.wait_dma2 semaphore(%arg16 : memref<!tpu.dma_semaphore, #tpu.memory_space<semaphore_mem>>) src(%dma_wait3A_485 : memref<64x256xf32, #tpu.memory_space<hbm>>) dst(%arg12 : memref<64x256xf32, #tpu.memory_space<vmem>>)
      %iota3A_486 = tpu.iota {dimensions = array<i32: 0>} : vector<16xi32>
      %parallel_loop3A_487 = arith.constant 0 : i32
      %parallel_loop3A_488 = arith.constant 16 : i32
      %parallel_loop3A_489 = arith.constant 1 : i32
      scf.for %parallel_loop3A_775 = %parallel_loop3A_487 to %parallel_loop3A_488 step %parallel_loop3A_489  : i32 {
        %parallel_loop3A_776 = arith.constant 16 : i32
        %parallel_loop3A_777 = arith.muli %parallel_loop3A_775, %parallel_loop3A_776 : i32
        %parallel_loop3A_778 = arith.index_cast %parallel_loop3A_777 : i32 to index
        %parallel_loop3A_779 = tpu.vector_load %arg8[%parallel_loop3A_778] {strides = array<i32>} : memref<256xi32, #tpu.memory_space<vmem>>, vector<16xi32>,
        %parallel_loop3A_780 = vector.broadcast %parallel_loop3A_777 : i32 to vector<16xi32>
        %parallel_loop3A_781 = arith.addi %parallel_loop3A_780, %iota3A_486 : vector<16xi32>
        %parallel_loop3A_782 = arith.constant 0 : i32
        %parallel_loop3A_783 = arith.constant 64 : i32
        %parallel_loop3A_784 = arith.constant 1 : i32
        scf.for %parallel_loop3A_785 = %parallel_loop3A_782 to %parallel_loop3A_783 step %parallel_loop3A_784  : i32 {
          %parallel_loop3A_786 = arith.constant 200 : i32
          %parallel_loop3A_787 = arith.muli %parallel_loop3A_785, %parallel_loop3A_786 : i32
          %parallel_loop3A_788 = vector.broadcast %parallel_loop3A_787 : i32 to vector<16xi32>
          %parallel_loop3A_789 = arith.addi %parallel_loop3A_779, %parallel_loop3A_788 : vector<16xi32>
          %parallel_loop3A_790 = tpu.vector_load_idx %arg6[%parallel_loop3A_789] : memref<12800xf32, #tpu.memory_space<vmem>>[vector<16xi32>], vector<16xf32>,
          %parallel_loop3A_791 = arith.constant 1 : i32
          %parallel_loop3A_792 = vector.broadcast %parallel_loop3A_791 : i32 to vector<16xi32>
          %parallel_loop3A_793 = vector.broadcast %parallel_loop3A_785 : i32 to vector<16xi32>
          %parallel_loop3A_794 = arith.muli %parallel_loop3A_792, %parallel_loop3A_793 : vector<16xi32>
          tpu.vector_store_idx %arg12[%parallel_loop3A_794, %parallel_loop3A_781], %parallel_loop3A_790 {add = true} : memref<64x256xf32, #tpu.memory_space<vmem>>[vector<16xi32>, vector<16xi32>], vector<16xf32>,
        } {sc.loop_unroll_factor = 8 : i64, sc.parallel_access}
      } {sc.loop_unroll_factor = 1 : i64, sc.parallel_access}
      %add3A_490 = arith.addi %mul3A_2, %add3A_424 : i32
      %jit3A_491 = arith.constant 16 : i32
      %div3A_492 = arith.divsi %add3A_490, %jit3A_491 : i32
      %sign3A_493 = arith.constant 0 : i32
      %sign3A_494 = arith.cmpi sgt, %add3A_490, %sign3A_493 : i32
      %sign3A_495 = arith.extui %sign3A_494 : i1 to i32
      %sign3A_496 = arith.constant 0 : i32
      %sign3A_497 = arith.cmpi slt, %add3A_490, %sign3A_496 : i32
      %sign3A_498 = arith.extui %sign3A_497 : i1 to i32
      %sign3A_499 = arith.subi %sign3A_495, %sign3A_498 : i32
      %sign3A_500 = arith.constant 0 : i32
      %sign3A_501 = arith.cmpi sgt, %jit3A_491, %sign3A_500 : i32
      %sign3A_502 = arith.extui %sign3A_501 : i1 to i32
      %sign3A_503 = arith.constant 0 : i32
      %sign3A_504 = arith.cmpi slt, %jit3A_491, %sign3A_503 : i32
      %sign3A_505 = arith.extui %sign3A_504 : i1 to i32
      %sign3A_506 = arith.subi %sign3A_502, %sign3A_505 : i32
      %ne3A_507 = arith.cmpi ne, %sign3A_499, %sign3A_506 : i32
      %rem3A_508 = arith.remsi %add3A_490, %jit3A_491 : i32
      %ne3A_509 = arith.constant 0 : i32
      %ne3A_510 = arith.cmpi ne, %rem3A_508, %ne3A_509 : i32
      %and3A_511 = arith.andi %ne3A_507, %ne3A_510 : i1
      %sub3A_512 = arith.constant 1 : i32
      %sub3A_513 = arith.subi %div3A_492, %sub3A_512 : i32
      %select_n3A_514 = arith.select %and3A_511, %sub3A_513, %div3A_492 : i32
      %jit3A_515 = arith.constant 16 : i32
      %eq3A_516 = arith.constant 0 : i32
      %eq3A_517 = arith.cmpi eq, %jit3A_515, %eq3A_516 : i32
      %jit3A_518 = arith.constant 1 : i32
      %select_n3A_519 = arith.select %eq3A_517, %jit3A_518, %jit3A_515 : i32
      %rem3A_520 = arith.remsi %add3A_490, %select_n3A_519 : i32
      %ne3A_521 = arith.constant 0 : i32
      %ne3A_522 = arith.cmpi ne, %rem3A_520, %ne3A_521 : i32
      %lt3A_523 = arith.constant 0 : i32
      %lt3A_524 = arith.cmpi slt, %rem3A_520, %lt3A_523 : i32
      %lt3A_525 = arith.constant 0 : i32
      %lt3A_526 = arith.cmpi slt, %select_n3A_519, %lt3A_525 : i32
      %ne3A_527 = arith.xori %lt3A_524, %lt3A_526 : i1
      %and3A_528 = arith.andi %ne3A_527, %ne3A_522 : i1
      %add3A_529 = arith.addi %rem3A_520, %select_n3A_519 : i32
      %select_n3A_530 = arith.select %and3A_528, %add3A_529, %rem3A_520 : i32
      %mul3A_531 = arith.constant 256 : i32
      %mul3A_532 = arith.muli %select_n3A_530, %mul3A_531 : i32
      %dma_start3A_533 = arith.constant 0 : i32
      %dma_start3A_534 = tpu.memref_slice %arg5[%select_n3A_514, %dma_start3A_533, %mul3A_532] : memref<200x64x4096xf32, #tpu.memory_space<hbm>> -> memref<1x64x256xf32, #tpu.memory_space<hbm>>
      %dma_start3A_535 = tpu.memref_squeeze %dma_start3A_534 : memref<1x64x256xf32, #tpu.memory_space<hbm>> -> memref<64x256xf32, #tpu.memory_space<hbm>>
      %dma_start3A_536 = arith.constant 0 : i32
      %dma_start3A_537 = tpu.memref_slice %arg5[%select_n3A_514, %dma_start3A_536, %mul3A_532] : memref<200x64x4096xf32, #tpu.memory_space<hbm>> -> memref<1x64x256xf32, #tpu.memory_space<hbm>>
      %dma_start3A_538 = tpu.memref_squeeze %dma_start3A_537 : memref<1x64x256xf32, #tpu.memory_space<hbm>> -> memref<64x256xf32, #tpu.memory_space<hbm>>
      tpu.enqueue_dma source(%arg12 : memref<64x256xf32, #tpu.memory_space<vmem>>) target(%dma_start3A_538 : memref<64x256xf32, #tpu.memory_space<hbm>>) target_semaphore(%arg20 : memref<!tpu.dma_semaphore, #tpu.memory_space<semaphore_mem>>)
      %mul3A_539 = arith.constant 4 : i32
      %mul3A_540 = arith.muli %scan3A_306, %mul3A_539 : i32
      %add3A_541 = arith.constant 2 : i32
      %add3A_542 = arith.addi %mul3A_540, %add3A_541 : i32
      %add3A_543 = arith.constant 2 : i32
      %add3A_544 = arith.addi %add3A_542, %add3A_543 : i32
      %lt3A_545 = arith.constant 100 : i32
      %lt3A_546 = arith.cmpi slt, %add3A_544, %lt3A_545 : i32
      %convert_element_type3A_547 = arith.extui %lt3A_546 : i1 to i32
      %cond3A_548 = arith.constant 0 : i32
      %cond3A_549 = arith.cmpi ne, %convert_element_type3A_547, %cond3A_548 : i32
      scf.if %cond3A_549 {
        %ge3A = arith.constant 2 : i32
        %ge3A_775 = arith.cmpi sge, %add3A_542, %ge3A : i32
        %convert_element_type3A_776 = arith.extui %ge3A_775 : i1 to i32
        %cond3A_777 = arith.constant 0 : i32
        %cond3A_778 = arith.cmpi ne, %convert_element_type3A_776, %cond3A_777 : i32
        scf.if %cond3A_778 {
          %sub3A_833 = arith.constant 2 : i32
          %sub3A_834 = arith.subi %add3A_542, %sub3A_833 : i32
          %add3A_835 = arith.addi %mul3A_2, %sub3A_834 : i32
          %jit3A_836 = arith.constant 16 : i32
          %div3A_837 = arith.divsi %add3A_835, %jit3A_836 : i32
          %sign3A_838 = arith.constant 0 : i32
          %sign3A_839 = arith.cmpi sgt, %add3A_835, %sign3A_838 : i32
          %sign3A_840 = arith.extui %sign3A_839 : i1 to i32
          %sign3A_841 = arith.constant 0 : i32
          %sign3A_842 = arith.cmpi slt, %add3A_835, %sign3A_841 : i32
          %sign3A_843 = arith.extui %sign3A_842 : i1 to i32
          %sign3A_844 = arith.subi %sign3A_840, %sign3A_843 : i32
          %sign3A_845 = arith.constant 0 : i32
          %sign3A_846 = arith.cmpi sgt, %jit3A_836, %sign3A_845 : i32
          %sign3A_847 = arith.extui %sign3A_846 : i1 to i32
          %sign3A_848 = arith.constant 0 : i32
          %sign3A_849 = arith.cmpi slt, %jit3A_836, %sign3A_848 : i32
          %sign3A_850 = arith.extui %sign3A_849 : i1 to i32
          %sign3A_851 = arith.subi %sign3A_847, %sign3A_850 : i32
          %ne3A_852 = arith.cmpi ne, %sign3A_844, %sign3A_851 : i32
          %rem3A_853 = arith.remsi %add3A_835, %jit3A_836 : i32
          %ne3A_854 = arith.constant 0 : i32
          %ne3A_855 = arith.cmpi ne, %rem3A_853, %ne3A_854 : i32
          %and3A_856 = arith.andi %ne3A_852, %ne3A_855 : i1
          %sub3A_857 = arith.constant 1 : i32
          %sub3A_858 = arith.subi %div3A_837, %sub3A_857 : i32
          %select_n3A_859 = arith.select %and3A_856, %sub3A_858, %div3A_837 : i32
          %jit3A_860 = arith.constant 16 : i32
          %eq3A_861 = arith.constant 0 : i32
          %eq3A_862 = arith.cmpi eq, %jit3A_860, %eq3A_861 : i32
          %jit3A_863 = arith.constant 1 : i32
          %select_n3A_864 = arith.select %eq3A_862, %jit3A_863, %jit3A_860 : i32
          %rem3A_865 = arith.remsi %add3A_835, %select_n3A_864 : i32
          %ne3A_866 = arith.constant 0 : i32
          %ne3A_867 = arith.cmpi ne, %rem3A_865, %ne3A_866 : i32
          %lt3A_868 = arith.constant 0 : i32
          %lt3A_869 = arith.cmpi slt, %rem3A_865, %lt3A_868 : i32
          %lt3A_870 = arith.constant 0 : i32
          %lt3A_871 = arith.cmpi slt, %select_n3A_864, %lt3A_870 : i32
          %ne3A_872 = arith.xori %lt3A_869, %lt3A_871 : i1
          %and3A_873 = arith.andi %ne3A_872, %ne3A_867 : i1
          %add3A_874 = arith.addi %rem3A_865, %select_n3A_864 : i32
          %select_n3A_875 = arith.select %and3A_873, %add3A_874, %rem3A_865 : i32
          %mul3A_876 = arith.constant 256 : i32
          %mul3A_877 = arith.muli %select_n3A_875, %mul3A_876 : i32
          %dma_wait3A_878 = arith.constant 0 : i32
          %dma_wait3A_879 = tpu.memref_slice %arg5[%select_n3A_859, %dma_wait3A_878, %mul3A_877] : memref<200x64x4096xf32, #tpu.memory_space<hbm>> -> memref<1x64x256xf32, #tpu.memory_space<hbm>>
          %dma_wait3A_880 = tpu.memref_squeeze %dma_wait3A_879 : memref<1x64x256xf32, #tpu.memory_space<hbm>> -> memref<64x256xf32, #tpu.memory_space<hbm>>
          %dma_wait3A_881 = arith.constant 0 : i32
          %dma_wait3A_882 = tpu.memref_slice %arg5[%select_n3A_859, %dma_wait3A_881, %mul3A_877] : memref<200x64x4096xf32, #tpu.memory_space<hbm>> -> memref<1x64x256xf32, #tpu.memory_space<hbm>>
          %dma_wait3A_883 = tpu.memref_squeeze %dma_wait3A_882 : memref<1x64x256xf32, #tpu.memory_space<hbm>> -> memref<64x256xf32, #tpu.memory_space<hbm>>
          tpu.wait_dma2 semaphore(%arg19 : memref<!tpu.dma_semaphore, #tpu.memory_space<semaphore_mem>>) src(%arg11 : memref<64x256xf32, #tpu.memory_space<vmem>>) dst(%dma_wait3A_883 : memref<64x256xf32, #tpu.memory_space<hbm>>)
        } else {
        }
        %add3A_779 = arith.addi %mul3A_2, %add3A_544 : i32
        %jit3A_780 = arith.constant 16 : i32
        %div3A_781 = arith.divsi %add3A_779, %jit3A_780 : i32
        %sign3A_782 = arith.constant 0 : i32
        %sign3A_783 = arith.cmpi sgt, %add3A_779, %sign3A_782 : i32
        %sign3A_784 = arith.extui %sign3A_783 : i1 to i32
        %sign3A_785 = arith.constant 0 : i32
        %sign3A_786 = arith.cmpi slt, %add3A_779, %sign3A_785 : i32
        %sign3A_787 = arith.extui %sign3A_786 : i1 to i32
        %sign3A_788 = arith.subi %sign3A_784, %sign3A_787 : i32
        %sign3A_789 = arith.constant 0 : i32
        %sign3A_790 = arith.cmpi sgt, %jit3A_780, %sign3A_789 : i32
        %sign3A_791 = arith.extui %sign3A_790 : i1 to i32
        %sign3A_792 = arith.constant 0 : i32
        %sign3A_793 = arith.cmpi slt, %jit3A_780, %sign3A_792 : i32
        %sign3A_794 = arith.extui %sign3A_793 : i1 to i32
        %sign3A_795 = arith.subi %sign3A_791, %sign3A_794 : i32
        %ne3A_796 = arith.cmpi ne, %sign3A_788, %sign3A_795 : i32
        %rem3A_797 = arith.remsi %add3A_779, %jit3A_780 : i32
        %ne3A_798 = arith.constant 0 : i32
        %ne3A_799 = arith.cmpi ne, %rem3A_797, %ne3A_798 : i32
        %and3A_800 = arith.andi %ne3A_796, %ne3A_799 : i1
        %sub3A_801 = arith.constant 1 : i32
        %sub3A_802 = arith.subi %div3A_781, %sub3A_801 : i32
        %select_n3A_803 = arith.select %and3A_800, %sub3A_802, %div3A_781 : i32
        %jit3A_804 = arith.constant 16 : i32
        %eq3A_805 = arith.constant 0 : i32
        %eq3A_806 = arith.cmpi eq, %jit3A_804, %eq3A_805 : i32
        %jit3A_807 = arith.constant 1 : i32
        %select_n3A_808 = arith.select %eq3A_806, %jit3A_807, %jit3A_804 : i32
        %rem3A_809 = arith.remsi %add3A_779, %select_n3A_808 : i32
        %ne3A_810 = arith.constant 0 : i32
        %ne3A_811 = arith.cmpi ne, %rem3A_809, %ne3A_810 : i32
        %lt3A_812 = arith.constant 0 : i32
        %lt3A_813 = arith.cmpi slt, %rem3A_809, %lt3A_812 : i32
        %lt3A_814 = arith.constant 0 : i32
        %lt3A_815 = arith.cmpi slt, %select_n3A_808, %lt3A_814 : i32
        %ne3A_816 = arith.xori %lt3A_813, %lt3A_815 : i1
        %and3A_817 = arith.andi %ne3A_816, %ne3A_811 : i1
        %add3A_818 = arith.addi %rem3A_809, %select_n3A_808 : i32
        %select_n3A_819 = arith.select %and3A_817, %add3A_818, %rem3A_809 : i32
        %mul3A_820 = arith.constant 256 : i32
        %mul3A_821 = arith.muli %select_n3A_819, %mul3A_820 : i32
        %mul3A_822 = arith.constant 4096 : i32
        %mul3A_823 = arith.muli %select_n3A_803, %mul3A_822 : i32
        %add3A_824 = arith.addi %mul3A_823, %mul3A_821 : i32
        %dma_start3A_825 = tpu.memref_slice %arg3[%add3A_824] : memref<819200xi32, #tpu.memory_space<hbm>> -> memref<256xi32, #tpu.memory_space<hbm>>
        %dma_start3A_826 = tpu.memref_slice %arg3[%add3A_824] : memref<819200xi32, #tpu.memory_space<hbm>> -> memref<256xi32, #tpu.memory_space<hbm>>
        tpu.enqueue_dma source(%dma_start3A_826 : memref<256xi32, #tpu.memory_space<hbm>>) target(%arg7 : memref<256xi32, #tpu.memory_space<vmem>>) target_semaphore(%arg15 : memref<!tpu.dma_semaphore, #tpu.memory_space<semaphore_mem>>)
        %dma_start3A_827 = arith.constant 0 : i32
        %dma_start3A_828 = tpu.memref_slice %arg2[%select_n3A_803, %dma_start3A_827, %mul3A_821] : memref<200x64x4096xf32, #tpu.memory_space<hbm>> -> memref<1x64x256xf32, #tpu.memory_space<hbm>>
        %dma_start3A_829 = tpu.memref_squeeze %dma_start3A_828 : memref<1x64x256xf32, #tpu.memory_space<hbm>> -> memref<64x256xf32, #tpu.memory_space<hbm>>
        %dma_start3A_830 = arith.constant 0 : i32
        %dma_start3A_831 = tpu.memref_slice %arg2[%select_n3A_803, %dma_start3A_830, %mul3A_821] : memref<200x64x4096xf32, #tpu.memory_space<hbm>> -> memref<1x64x256xf32, #tpu.memory_space<hbm>>
        %dma_start3A_832 = tpu.memref_squeeze %dma_start3A_831 : memref<1x64x256xf32, #tpu.memory_space<hbm>> -> memref<64x256xf32, #tpu.memory_space<hbm>>
        tpu.enqueue_dma source(%dma_start3A_832 : memref<64x256xf32, #tpu.memory_space<hbm>>) target(%arg11 : memref<64x256xf32, #tpu.memory_space<vmem>>) target_semaphore(%arg15 : memref<!tpu.dma_semaphore, #tpu.memory_space<semaphore_mem>>)
      } else {
      }
      %add3A_550 = arith.addi %mul3A_2, %add3A_542 : i32
      %jit3A_551 = arith.constant 16 : i32
      %div3A_552 = arith.divsi %add3A_550, %jit3A_551 : i32
      %sign3A_553 = arith.constant 0 : i32
      %sign3A_554 = arith.cmpi sgt, %add3A_550, %sign3A_553 : i32
      %sign3A_555 = arith.extui %sign3A_554 : i1 to i32
      %sign3A_556 = arith.constant 0 : i32
      %sign3A_557 = arith.cmpi slt, %add3A_550, %sign3A_556 : i32
      %sign3A_558 = arith.extui %sign3A_557 : i1 to i32
      %sign3A_559 = arith.subi %sign3A_555, %sign3A_558 : i32
      %sign3A_560 = arith.constant 0 : i32
      %sign3A_561 = arith.cmpi sgt, %jit3A_551, %sign3A_560 : i32
      %sign3A_562 = arith.extui %sign3A_561 : i1 to i32
      %sign3A_563 = arith.constant 0 : i32
      %sign3A_564 = arith.cmpi slt, %jit3A_551, %sign3A_563 : i32
      %sign3A_565 = arith.extui %sign3A_564 : i1 to i32
      %sign3A_566 = arith.subi %sign3A_562, %sign3A_565 : i32
      %ne3A_567 = arith.cmpi ne, %sign3A_559, %sign3A_566 : i32
      %rem3A_568 = arith.remsi %add3A_550, %jit3A_551 : i32
      %ne3A_569 = arith.constant 0 : i32
      %ne3A_570 = arith.cmpi ne, %rem3A_568, %ne3A_569 : i32
      %and3A_571 = arith.andi %ne3A_567, %ne3A_570 : i1
      %sub3A_572 = arith.constant 1 : i32
      %sub3A_573 = arith.subi %div3A_552, %sub3A_572 : i32
      %select_n3A_574 = arith.select %and3A_571, %sub3A_573, %div3A_552 : i32
      %jit3A_575 = arith.constant 16 : i32
      %eq3A_576 = arith.constant 0 : i32
      %eq3A_577 = arith.cmpi eq, %jit3A_575, %eq3A_576 : i32
      %jit3A_578 = arith.constant 1 : i32
      %select_n3A_579 = arith.select %eq3A_577, %jit3A_578, %jit3A_575 : i32
      %rem3A_580 = arith.remsi %add3A_550, %select_n3A_579 : i32
      %ne3A_581 = arith.constant 0 : i32
      %ne3A_582 = arith.cmpi ne, %rem3A_580, %ne3A_581 : i32
      %lt3A_583 = arith.constant 0 : i32
      %lt3A_584 = arith.cmpi slt, %rem3A_580, %lt3A_583 : i32
      %lt3A_585 = arith.constant 0 : i32
      %lt3A_586 = arith.cmpi slt, %select_n3A_579, %lt3A_585 : i32
      %ne3A_587 = arith.xori %lt3A_584, %lt3A_586 : i1
      %and3A_588 = arith.andi %ne3A_587, %ne3A_582 : i1
      %add3A_589 = arith.addi %rem3A_580, %select_n3A_579 : i32
      %select_n3A_590 = arith.select %and3A_588, %add3A_589, %rem3A_580 : i32
      %mul3A_591 = arith.constant 256 : i32
      %mul3A_592 = arith.muli %select_n3A_590, %mul3A_591 : i32
      %mul3A_593 = arith.constant 4096 : i32
      %mul3A_594 = arith.muli %select_n3A_574, %mul3A_593 : i32
      %add3A_595 = arith.addi %mul3A_594, %mul3A_592 : i32
      %dma_wait3A_596 = tpu.memref_slice %arg3[%add3A_595] : memref<819200xi32, #tpu.memory_space<hbm>> -> memref<256xi32, #tpu.memory_space<hbm>>
      %dma_wait3A_597 = tpu.memref_slice %arg3[%add3A_595] : memref<819200xi32, #tpu.memory_space<hbm>> -> memref<256xi32, #tpu.memory_space<hbm>>
      tpu.wait_dma2 semaphore(%arg17 : memref<!tpu.dma_semaphore, #tpu.memory_space<semaphore_mem>>) src(%dma_wait3A_597 : memref<256xi32, #tpu.memory_space<hbm>>) dst(%arg9 : memref<256xi32, #tpu.memory_space<vmem>>)
      %dma_wait3A_598 = arith.constant 0 : i32
      %dma_wait3A_599 = tpu.memref_slice %arg2[%select_n3A_574, %dma_wait3A_598, %mul3A_592] : memref<200x64x4096xf32, #tpu.memory_space<hbm>> -> memref<1x64x256xf32, #tpu.memory_space<hbm>>
      %dma_wait3A_600 = tpu.memref_squeeze %dma_wait3A_599 : memref<1x64x256xf32, #tpu.memory_space<hbm>> -> memref<64x256xf32, #tpu.memory_space<hbm>>
      %dma_wait3A_601 = arith.constant 0 : i32
      %dma_wait3A_602 = tpu.memref_slice %arg2[%select_n3A_574, %dma_wait3A_601, %mul3A_592] : memref<200x64x4096xf32, #tpu.memory_space<hbm>> -> memref<1x64x256xf32, #tpu.memory_space<hbm>>
      %dma_wait3A_603 = tpu.memref_squeeze %dma_wait3A_602 : memref<1x64x256xf32, #tpu.memory_space<hbm>> -> memref<64x256xf32, #tpu.memory_space<hbm>>
      tpu.wait_dma2 semaphore(%arg17 : memref<!tpu.dma_semaphore, #tpu.memory_space<semaphore_mem>>) src(%dma_wait3A_603 : memref<64x256xf32, #tpu.memory_space<hbm>>) dst(%arg13 : memref<64x256xf32, #tpu.memory_space<vmem>>)
      %iota3A_604 = tpu.iota {dimensions = array<i32: 0>} : vector<16xi32>
      %parallel_loop3A_605 = arith.constant 0 : i32
      %parallel_loop3A_606 = arith.constant 16 : i32
      %parallel_loop3A_607 = arith.constant 1 : i32
      scf.for %parallel_loop3A_775 = %parallel_loop3A_605 to %parallel_loop3A_606 step %parallel_loop3A_607  : i32 {
        %parallel_loop3A_776 = arith.constant 16 : i32
        %parallel_loop3A_777 = arith.muli %parallel_loop3A_775, %parallel_loop3A_776 : i32
        %parallel_loop3A_778 = arith.index_cast %parallel_loop3A_777 : i32 to index
        %parallel_loop3A_779 = tpu.vector_load %arg9[%parallel_loop3A_778] {strides = array<i32>} : memref<256xi32, #tpu.memory_space<vmem>>, vector<16xi32>,
        %parallel_loop3A_780 = vector.broadcast %parallel_loop3A_777 : i32 to vector<16xi32>
        %parallel_loop3A_781 = arith.addi %parallel_loop3A_780, %iota3A_604 : vector<16xi32>
        %parallel_loop3A_782 = arith.constant 0 : i32
        %parallel_loop3A_783 = arith.constant 64 : i32
        %parallel_loop3A_784 = arith.constant 1 : i32
        scf.for %parallel_loop3A_785 = %parallel_loop3A_782 to %parallel_loop3A_783 step %parallel_loop3A_784  : i32 {
          %parallel_loop3A_786 = arith.constant 200 : i32
          %parallel_loop3A_787 = arith.muli %parallel_loop3A_785, %parallel_loop3A_786 : i32
          %parallel_loop3A_788 = vector.broadcast %parallel_loop3A_787 : i32 to vector<16xi32>
          %parallel_loop3A_789 = arith.addi %parallel_loop3A_779, %parallel_loop3A_788 : vector<16xi32>
          %parallel_loop3A_790 = tpu.vector_load_idx %arg6[%parallel_loop3A_789] : memref<12800xf32, #tpu.memory_space<vmem>>[vector<16xi32>], vector<16xf32>,
          %parallel_loop3A_791 = arith.constant 1 : i32
          %parallel_loop3A_792 = vector.broadcast %parallel_loop3A_791 : i32 to vector<16xi32>
          %parallel_loop3A_793 = vector.broadcast %parallel_loop3A_785 : i32 to vector<16xi32>
          %parallel_loop3A_794 = arith.muli %parallel_loop3A_792, %parallel_loop3A_793 : vector<16xi32>
          tpu.vector_store_idx %arg13[%parallel_loop3A_794, %parallel_loop3A_781], %parallel_loop3A_790 {add = true} : memref<64x256xf32, #tpu.memory_space<vmem>>[vector<16xi32>, vector<16xi32>], vector<16xf32>,
        } {sc.loop_unroll_factor = 8 : i64, sc.parallel_access}
      } {sc.loop_unroll_factor = 1 : i64, sc.parallel_access}
      %add3A_608 = arith.addi %mul3A_2, %add3A_542 : i32
      %jit3A_609 = arith.constant 16 : i32
      %div3A_610 = arith.divsi %add3A_608, %jit3A_609 : i32
      %sign3A_611 = arith.constant 0 : i32
      %sign3A_612 = arith.cmpi sgt, %add3A_608, %sign3A_611 : i32
      %sign3A_613 = arith.extui %sign3A_612 : i1 to i32
      %sign3A_614 = arith.constant 0 : i32
      %sign3A_615 = arith.cmpi slt, %add3A_608, %sign3A_614 : i32
      %sign3A_616 = arith.extui %sign3A_615 : i1 to i32
      %sign3A_617 = arith.subi %sign3A_613, %sign3A_616 : i32
      %sign3A_618 = arith.constant 0 : i32
      %sign3A_619 = arith.cmpi sgt, %jit3A_609, %sign3A_618 : i32
      %sign3A_620 = arith.extui %sign3A_619 : i1 to i32
      %sign3A_621 = arith.constant 0 : i32
      %sign3A_622 = arith.cmpi slt, %jit3A_609, %sign3A_621 : i32
      %sign3A_623 = arith.extui %sign3A_622 : i1 to i32
      %sign3A_624 = arith.subi %sign3A_620, %sign3A_623 : i32
      %ne3A_625 = arith.cmpi ne, %sign3A_617, %sign3A_624 : i32
      %rem3A_626 = arith.remsi %add3A_608, %jit3A_609 : i32
      %ne3A_627 = arith.constant 0 : i32
      %ne3A_628 = arith.cmpi ne, %rem3A_626, %ne3A_627 : i32
      %and3A_629 = arith.andi %ne3A_625, %ne3A_628 : i1
      %sub3A_630 = arith.constant 1 : i32
      %sub3A_631 = arith.subi %div3A_610, %sub3A_630 : i32
      %select_n3A_632 = arith.select %and3A_629, %sub3A_631, %div3A_610 : i32
      %jit3A_633 = arith.constant 16 : i32
      %eq3A_634 = arith.constant 0 : i32
      %eq3A_635 = arith.cmpi eq, %jit3A_633, %eq3A_634 : i32
      %jit3A_636 = arith.constant 1 : i32
      %select_n3A_637 = arith.select %eq3A_635, %jit3A_636, %jit3A_633 : i32
      %rem3A_638 = arith.remsi %add3A_608, %select_n3A_637 : i32
      %ne3A_639 = arith.constant 0 : i32
      %ne3A_640 = arith.cmpi ne, %rem3A_638, %ne3A_639 : i32
      %lt3A_641 = arith.constant 0 : i32
      %lt3A_642 = arith.cmpi slt, %rem3A_638, %lt3A_641 : i32
      %lt3A_643 = arith.constant 0 : i32
      %lt3A_644 = arith.cmpi slt, %select_n3A_637, %lt3A_643 : i32
      %ne3A_645 = arith.xori %lt3A_642, %lt3A_644 : i1
      %and3A_646 = arith.andi %ne3A_645, %ne3A_640 : i1
      %add3A_647 = arith.addi %rem3A_638, %select_n3A_637 : i32
      %select_n3A_648 = arith.select %and3A_646, %add3A_647, %rem3A_638 : i32
      %mul3A_649 = arith.constant 256 : i32
      %mul3A_650 = arith.muli %select_n3A_648, %mul3A_649 : i32
      %dma_start3A_651 = arith.constant 0 : i32
      %dma_start3A_652 = tpu.memref_slice %arg5[%select_n3A_632, %dma_start3A_651, %mul3A_650] : memref<200x64x4096xf32, #tpu.memory_space<hbm>> -> memref<1x64x256xf32, #tpu.memory_space<hbm>>
      %dma_start3A_653 = tpu.memref_squeeze %dma_start3A_652 : memref<1x64x256xf32, #tpu.memory_space<hbm>> -> memref<64x256xf32, #tpu.memory_space<hbm>>
      %dma_start3A_654 = arith.constant 0 : i32
      %dma_start3A_655 = tpu.memref_slice %arg5[%select_n3A_632, %dma_start3A_654, %mul3A_650] : memref<200x64x4096xf32, #tpu.memory_space<hbm>> -> memref<1x64x256xf32, #tpu.memory_space<hbm>>
      %dma_start3A_656 = tpu.memref_squeeze %dma_start3A_655 : memref<1x64x256xf32, #tpu.memory_space<hbm>> -> memref<64x256xf32, #tpu.memory_space<hbm>>
      tpu.enqueue_dma source(%arg13 : memref<64x256xf32, #tpu.memory_space<vmem>>) target(%dma_start3A_656 : memref<64x256xf32, #tpu.memory_space<hbm>>) target_semaphore(%arg21 : memref<!tpu.dma_semaphore, #tpu.memory_space<semaphore_mem>>)
      %mul3A_657 = arith.constant 4 : i32
      %mul3A_658 = arith.muli %scan3A_306, %mul3A_657 : i32
      %add3A_659 = arith.constant 3 : i32
      %add3A_660 = arith.addi %mul3A_658, %add3A_659 : i32
      %add3A_661 = arith.constant 2 : i32
      %add3A_662 = arith.addi %add3A_660, %add3A_661 : i32
      %lt3A_663 = arith.constant 100 : i32
      %lt3A_664 = arith.cmpi slt, %add3A_662, %lt3A_663 : i32
      %convert_element_type3A_665 = arith.extui %lt3A_664 : i1 to i32
      %cond3A_666 = arith.constant 0 : i32
      %cond3A_667 = arith.cmpi ne, %convert_element_type3A_665, %cond3A_666 : i32
      scf.if %cond3A_667 {
        %ge3A = arith.constant 2 : i32
        %ge3A_775 = arith.cmpi sge, %add3A_660, %ge3A : i32
        %convert_element_type3A_776 = arith.extui %ge3A_775 : i1 to i32
        %cond3A_777 = arith.constant 0 : i32
        %cond3A_778 = arith.cmpi ne, %convert_element_type3A_776, %cond3A_777 : i32
        scf.if %cond3A_778 {
          %sub3A_833 = arith.constant 2 : i32
          %sub3A_834 = arith.subi %add3A_660, %sub3A_833 : i32
          %add3A_835 = arith.addi %mul3A_2, %sub3A_834 : i32
          %jit3A_836 = arith.constant 16 : i32
          %div3A_837 = arith.divsi %add3A_835, %jit3A_836 : i32
          %sign3A_838 = arith.constant 0 : i32
          %sign3A_839 = arith.cmpi sgt, %add3A_835, %sign3A_838 : i32
          %sign3A_840 = arith.extui %sign3A_839 : i1 to i32
          %sign3A_841 = arith.constant 0 : i32
          %sign3A_842 = arith.cmpi slt, %add3A_835, %sign3A_841 : i32
          %sign3A_843 = arith.extui %sign3A_842 : i1 to i32
          %sign3A_844 = arith.subi %sign3A_840, %sign3A_843 : i32
          %sign3A_845 = arith.constant 0 : i32
          %sign3A_846 = arith.cmpi sgt, %jit3A_836, %sign3A_845 : i32
          %sign3A_847 = arith.extui %sign3A_846 : i1 to i32
          %sign3A_848 = arith.constant 0 : i32
          %sign3A_849 = arith.cmpi slt, %jit3A_836, %sign3A_848 : i32
          %sign3A_850 = arith.extui %sign3A_849 : i1 to i32
          %sign3A_851 = arith.subi %sign3A_847, %sign3A_850 : i32
          %ne3A_852 = arith.cmpi ne, %sign3A_844, %sign3A_851 : i32
          %rem3A_853 = arith.remsi %add3A_835, %jit3A_836 : i32
          %ne3A_854 = arith.constant 0 : i32
          %ne3A_855 = arith.cmpi ne, %rem3A_853, %ne3A_854 : i32
          %and3A_856 = arith.andi %ne3A_852, %ne3A_855 : i1
          %sub3A_857 = arith.constant 1 : i32
          %sub3A_858 = arith.subi %div3A_837, %sub3A_857 : i32
          %select_n3A_859 = arith.select %and3A_856, %sub3A_858, %div3A_837 : i32
          %jit3A_860 = arith.constant 16 : i32
          %eq3A_861 = arith.constant 0 : i32
          %eq3A_862 = arith.cmpi eq, %jit3A_860, %eq3A_861 : i32
          %jit3A_863 = arith.constant 1 : i32
          %select_n3A_864 = arith.select %eq3A_862, %jit3A_863, %jit3A_860 : i32
          %rem3A_865 = arith.remsi %add3A_835, %select_n3A_864 : i32
          %ne3A_866 = arith.constant 0 : i32
          %ne3A_867 = arith.cmpi ne, %rem3A_865, %ne3A_866 : i32
          %lt3A_868 = arith.constant 0 : i32
          %lt3A_869 = arith.cmpi slt, %rem3A_865, %lt3A_868 : i32
          %lt3A_870 = arith.constant 0 : i32
          %lt3A_871 = arith.cmpi slt, %select_n3A_864, %lt3A_870 : i32
          %ne3A_872 = arith.xori %lt3A_869, %lt3A_871 : i1
          %and3A_873 = arith.andi %ne3A_872, %ne3A_867 : i1
          %add3A_874 = arith.addi %rem3A_865, %select_n3A_864 : i32
          %select_n3A_875 = arith.select %and3A_873, %add3A_874, %rem3A_865 : i32
          %mul3A_876 = arith.constant 256 : i32
          %mul3A_877 = arith.muli %select_n3A_875, %mul3A_876 : i32
          %dma_wait3A_878 = arith.constant 0 : i32
          %dma_wait3A_879 = tpu.memref_slice %arg5[%select_n3A_859, %dma_wait3A_878, %mul3A_877] : memref<200x64x4096xf32, #tpu.memory_space<hbm>> -> memref<1x64x256xf32, #tpu.memory_space<hbm>>
          %dma_wait3A_880 = tpu.memref_squeeze %dma_wait3A_879 : memref<1x64x256xf32, #tpu.memory_space<hbm>> -> memref<64x256xf32, #tpu.memory_space<hbm>>
          %dma_wait3A_881 = arith.constant 0 : i32
          %dma_wait3A_882 = tpu.memref_slice %arg5[%select_n3A_859, %dma_wait3A_881, %mul3A_877] : memref<200x64x4096xf32, #tpu.memory_space<hbm>> -> memref<1x64x256xf32, #tpu.memory_space<hbm>>
          %dma_wait3A_883 = tpu.memref_squeeze %dma_wait3A_882 : memref<1x64x256xf32, #tpu.memory_space<hbm>> -> memref<64x256xf32, #tpu.memory_space<hbm>>
          tpu.wait_dma2 semaphore(%arg20 : memref<!tpu.dma_semaphore, #tpu.memory_space<semaphore_mem>>) src(%arg12 : memref<64x256xf32, #tpu.memory_space<vmem>>) dst(%dma_wait3A_883 : memref<64x256xf32, #tpu.memory_space<hbm>>)
        } else {
        }
        %add3A_779 = arith.addi %mul3A_2, %add3A_662 : i32
        %jit3A_780 = arith.constant 16 : i32
        %div3A_781 = arith.divsi %add3A_779, %jit3A_780 : i32
        %sign3A_782 = arith.constant 0 : i32
        %sign3A_783 = arith.cmpi sgt, %add3A_779, %sign3A_782 : i32
        %sign3A_784 = arith.extui %sign3A_783 : i1 to i32
        %sign3A_785 = arith.constant 0 : i32
        %sign3A_786 = arith.cmpi slt, %add3A_779, %sign3A_785 : i32
        %sign3A_787 = arith.extui %sign3A_786 : i1 to i32
        %sign3A_788 = arith.subi %sign3A_784, %sign3A_787 : i32
        %sign3A_789 = arith.constant 0 : i32
        %sign3A_790 = arith.cmpi sgt, %jit3A_780, %sign3A_789 : i32
        %sign3A_791 = arith.extui %sign3A_790 : i1 to i32
        %sign3A_792 = arith.constant 0 : i32
        %sign3A_793 = arith.cmpi slt, %jit3A_780, %sign3A_792 : i32
        %sign3A_794 = arith.extui %sign3A_793 : i1 to i32
        %sign3A_795 = arith.subi %sign3A_791, %sign3A_794 : i32
        %ne3A_796 = arith.cmpi ne, %sign3A_788, %sign3A_795 : i32
        %rem3A_797 = arith.remsi %add3A_779, %jit3A_780 : i32
        %ne3A_798 = arith.constant 0 : i32
        %ne3A_799 = arith.cmpi ne, %rem3A_797, %ne3A_798 : i32
        %and3A_800 = arith.andi %ne3A_796, %ne3A_799 : i1
        %sub3A_801 = arith.constant 1 : i32
        %sub3A_802 = arith.subi %div3A_781, %sub3A_801 : i32
        %select_n3A_803 = arith.select %and3A_800, %sub3A_802, %div3A_781 : i32
        %jit3A_804 = arith.constant 16 : i32
        %eq3A_805 = arith.constant 0 : i32
        %eq3A_806 = arith.cmpi eq, %jit3A_804, %eq3A_805 : i32
        %jit3A_807 = arith.constant 1 : i32
        %select_n3A_808 = arith.select %eq3A_806, %jit3A_807, %jit3A_804 : i32
        %rem3A_809 = arith.remsi %add3A_779, %select_n3A_808 : i32
        %ne3A_810 = arith.constant 0 : i32
        %ne3A_811 = arith.cmpi ne, %rem3A_809, %ne3A_810 : i32
        %lt3A_812 = arith.constant 0 : i32
        %lt3A_813 = arith.cmpi slt, %rem3A_809, %lt3A_812 : i32
        %lt3A_814 = arith.constant 0 : i32
        %lt3A_815 = arith.cmpi slt, %select_n3A_808, %lt3A_814 : i32
        %ne3A_816 = arith.xori %lt3A_813, %lt3A_815 : i1
        %and3A_817 = arith.andi %ne3A_816, %ne3A_811 : i1
        %add3A_818 = arith.addi %rem3A_809, %select_n3A_808 : i32
        %select_n3A_819 = arith.select %and3A_817, %add3A_818, %rem3A_809 : i32
        %mul3A_820 = arith.constant 256 : i32
        %mul3A_821 = arith.muli %select_n3A_819, %mul3A_820 : i32
        %mul3A_822 = arith.constant 4096 : i32
        %mul3A_823 = arith.muli %select_n3A_803, %mul3A_822 : i32
        %add3A_824 = arith.addi %mul3A_823, %mul3A_821 : i32
        %dma_start3A_825 = tpu.memref_slice %arg3[%add3A_824] : memref<819200xi32, #tpu.memory_space<hbm>> -> memref<256xi32, #tpu.memory_space<hbm>>
        %dma_start3A_826 = tpu.memref_slice %arg3[%add3A_824] : memref<819200xi32, #tpu.memory_space<hbm>> -> memref<256xi32, #tpu.memory_space<hbm>>
        tpu.enqueue_dma source(%dma_start3A_826 : memref<256xi32, #tpu.memory_space<hbm>>) target(%arg8 : memref<256xi32, #tpu.memory_space<vmem>>) target_semaphore(%arg16 : memref<!tpu.dma_semaphore, #tpu.memory_space<semaphore_mem>>)
        %dma_start3A_827 = arith.constant 0 : i32
        %dma_start3A_828 = tpu.memref_slice %arg2[%select_n3A_803, %dma_start3A_827, %mul3A_821] : memref<200x64x4096xf32, #tpu.memory_space<hbm>> -> memref<1x64x256xf32, #tpu.memory_space<hbm>>
        %dma_start3A_829 = tpu.memref_squeeze %dma_start3A_828 : memref<1x64x256xf32, #tpu.memory_space<hbm>> -> memref<64x256xf32, #tpu.memory_space<hbm>>
        %dma_start3A_830 = arith.constant 0 : i32
        %dma_start3A_831 = tpu.memref_slice %arg2[%select_n3A_803, %dma_start3A_830, %mul3A_821] : memref<200x64x4096xf32, #tpu.memory_space<hbm>> -> memref<1x64x256xf32, #tpu.memory_space<hbm>>
        %dma_start3A_832 = tpu.memref_squeeze %dma_start3A_831 : memref<1x64x256xf32, #tpu.memory_space<hbm>> -> memref<64x256xf32, #tpu.memory_space<hbm>>
        tpu.enqueue_dma source(%dma_start3A_832 : memref<64x256xf32, #tpu.memory_space<hbm>>) target(%arg12 : memref<64x256xf32, #tpu.memory_space<vmem>>) target_semaphore(%arg16 : memref<!tpu.dma_semaphore, #tpu.memory_space<semaphore_mem>>)
      } else {
      }
      %add3A_668 = arith.addi %mul3A_2, %add3A_660 : i32
      %jit3A_669 = arith.constant 16 : i32
      %div3A_670 = arith.divsi %add3A_668, %jit3A_669 : i32
      %sign3A_671 = arith.constant 0 : i32
      %sign3A_672 = arith.cmpi sgt, %add3A_668, %sign3A_671 : i32
      %sign3A_673 = arith.extui %sign3A_672 : i1 to i32
      %sign3A_674 = arith.constant 0 : i32
      %sign3A_675 = arith.cmpi slt, %add3A_668, %sign3A_674 : i32
      %sign3A_676 = arith.extui %sign3A_675 : i1 to i32
      %sign3A_677 = arith.subi %sign3A_673, %sign3A_676 : i32
      %sign3A_678 = arith.constant 0 : i32
      %sign3A_679 = arith.cmpi sgt, %jit3A_669, %sign3A_678 : i32
      %sign3A_680 = arith.extui %sign3A_679 : i1 to i32
      %sign3A_681 = arith.constant 0 : i32
      %sign3A_682 = arith.cmpi slt, %jit3A_669, %sign3A_681 : i32
      %sign3A_683 = arith.extui %sign3A_682 : i1 to i32
      %sign3A_684 = arith.subi %sign3A_680, %sign3A_683 : i32
      %ne3A_685 = arith.cmpi ne, %sign3A_677, %sign3A_684 : i32
      %rem3A_686 = arith.remsi %add3A_668, %jit3A_669 : i32
      %ne3A_687 = arith.constant 0 : i32
      %ne3A_688 = arith.cmpi ne, %rem3A_686, %ne3A_687 : i32
      %and3A_689 = arith.andi %ne3A_685, %ne3A_688 : i1
      %sub3A_690 = arith.constant 1 : i32
      %sub3A_691 = arith.subi %div3A_670, %sub3A_690 : i32
      %select_n3A_692 = arith.select %and3A_689, %sub3A_691, %div3A_670 : i32
      %jit3A_693 = arith.constant 16 : i32
      %eq3A_694 = arith.constant 0 : i32
      %eq3A_695 = arith.cmpi eq, %jit3A_693, %eq3A_694 : i32
      %jit3A_696 = arith.constant 1 : i32
      %select_n3A_697 = arith.select %eq3A_695, %jit3A_696, %jit3A_693 : i32
      %rem3A_698 = arith.remsi %add3A_668, %select_n3A_697 : i32
      %ne3A_699 = arith.constant 0 : i32
      %ne3A_700 = arith.cmpi ne, %rem3A_698, %ne3A_699 : i32
      %lt3A_701 = arith.constant 0 : i32
      %lt3A_702 = arith.cmpi slt, %rem3A_698, %lt3A_701 : i32
      %lt3A_703 = arith.constant 0 : i32
      %lt3A_704 = arith.cmpi slt, %select_n3A_697, %lt3A_703 : i32
      %ne3A_705 = arith.xori %lt3A_702, %lt3A_704 : i1
      %and3A_706 = arith.andi %ne3A_705, %ne3A_700 : i1
      %add3A_707 = arith.addi %rem3A_698, %select_n3A_697 : i32
      %select_n3A_708 = arith.select %and3A_706, %add3A_707, %rem3A_698 : i32
      %mul3A_709 = arith.constant 256 : i32
      %mul3A_710 = arith.muli %select_n3A_708, %mul3A_709 : i32
      %mul3A_711 = arith.constant 4096 : i32
      %mul3A_712 = arith.muli %select_n3A_692, %mul3A_711 : i32
      %add3A_713 = arith.addi %mul3A_712, %mul3A_710 : i32
      %dma_wait3A_714 = tpu.memref_slice %arg3[%add3A_713] : memref<819200xi32, #tpu.memory_space<hbm>> -> memref<256xi32, #tpu.memory_space<hbm>>
      %dma_wait3A_715 = tpu.memref_slice %arg3[%add3A_713] : memref<819200xi32, #tpu.memory_space<hbm>> -> memref<256xi32, #tpu.memory_space<hbm>>
      tpu.wait_dma2 semaphore(%arg18 : memref<!tpu.dma_semaphore, #tpu.memory_space<semaphore_mem>>) src(%dma_wait3A_715 : memref<256xi32, #tpu.memory_space<hbm>>) dst(%arg10 : memref<256xi32, #tpu.memory_space<vmem>>)
      %dma_wait3A_716 = arith.constant 0 : i32
      %dma_wait3A_717 = tpu.memref_slice %arg2[%select_n3A_692, %dma_wait3A_716, %mul3A_710] : memref<200x64x4096xf32, #tpu.memory_space<hbm>> -> memref<1x64x256xf32, #tpu.memory_space<hbm>>
      %dma_wait3A_718 = tpu.memref_squeeze %dma_wait3A_717 : memref<1x64x256xf32, #tpu.memory_space<hbm>> -> memref<64x256xf32, #tpu.memory_space<hbm>>
      %dma_wait3A_719 = arith.constant 0 : i32
      %dma_wait3A_720 = tpu.memref_slice %arg2[%select_n3A_692, %dma_wait3A_719, %mul3A_710] : memref<200x64x4096xf32, #tpu.memory_space<hbm>> -> memref<1x64x256xf32, #tpu.memory_space<hbm>>
      %dma_wait3A_721 = tpu.memref_squeeze %dma_wait3A_720 : memref<1x64x256xf32, #tpu.memory_space<hbm>> -> memref<64x256xf32, #tpu.memory_space<hbm>>
      tpu.wait_dma2 semaphore(%arg18 : memref<!tpu.dma_semaphore, #tpu.memory_space<semaphore_mem>>) src(%dma_wait3A_721 : memref<64x256xf32, #tpu.memory_space<hbm>>) dst(%arg14 : memref<64x256xf32, #tpu.memory_space<vmem>>)
      %iota3A_722 = tpu.iota {dimensions = array<i32: 0>} : vector<16xi32>
      %parallel_loop3A_723 = arith.constant 0 : i32
      %parallel_loop3A_724 = arith.constant 16 : i32
      %parallel_loop3A_725 = arith.constant 1 : i32
      scf.for %parallel_loop3A_775 = %parallel_loop3A_723 to %parallel_loop3A_724 step %parallel_loop3A_725  : i32 {
        %parallel_loop3A_776 = arith.constant 16 : i32
        %parallel_loop3A_777 = arith.muli %parallel_loop3A_775, %parallel_loop3A_776 : i32
        %parallel_loop3A_778 = arith.index_cast %parallel_loop3A_777 : i32 to index
        %parallel_loop3A_779 = tpu.vector_load %arg10[%parallel_loop3A_778] {strides = array<i32>} : memref<256xi32, #tpu.memory_space<vmem>>, vector<16xi32>,
        %parallel_loop3A_780 = vector.broadcast %parallel_loop3A_777 : i32 to vector<16xi32>
        %parallel_loop3A_781 = arith.addi %parallel_loop3A_780, %iota3A_722 : vector<16xi32>
        %parallel_loop3A_782 = arith.constant 0 : i32
        %parallel_loop3A_783 = arith.constant 64 : i32
        %parallel_loop3A_784 = arith.constant 1 : i32
        scf.for %parallel_loop3A_785 = %parallel_loop3A_782 to %parallel_loop3A_783 step %parallel_loop3A_784  : i32 {
          %parallel_loop3A_786 = arith.constant 200 : i32
          %parallel_loop3A_787 = arith.muli %parallel_loop3A_785, %parallel_loop3A_786 : i32
          %parallel_loop3A_788 = vector.broadcast %parallel_loop3A_787 : i32 to vector<16xi32>
          %parallel_loop3A_789 = arith.addi %parallel_loop3A_779, %parallel_loop3A_788 : vector<16xi32>
          %parallel_loop3A_790 = tpu.vector_load_idx %arg6[%parallel_loop3A_789] : memref<12800xf32, #tpu.memory_space<vmem>>[vector<16xi32>], vector<16xf32>,
          %parallel_loop3A_791 = arith.constant 1 : i32
          %parallel_loop3A_792 = vector.broadcast %parallel_loop3A_791 : i32 to vector<16xi32>
          %parallel_loop3A_793 = vector.broadcast %parallel_loop3A_785 : i32 to vector<16xi32>
          %parallel_loop3A_794 = arith.muli %parallel_loop3A_792, %parallel_loop3A_793 : vector<16xi32>
          tpu.vector_store_idx %arg14[%parallel_loop3A_794, %parallel_loop3A_781], %parallel_loop3A_790 {add = true} : memref<64x256xf32, #tpu.memory_space<vmem>>[vector<16xi32>, vector<16xi32>], vector<16xf32>,
        } {sc.loop_unroll_factor = 8 : i64, sc.parallel_access}
      } {sc.loop_unroll_factor = 1 : i64, sc.parallel_access}
      %add3A_726 = arith.addi %mul3A_2, %add3A_660 : i32
      %jit3A_727 = arith.constant 16 : i32
      %div3A_728 = arith.divsi %add3A_726, %jit3A_727 : i32
      %sign3A_729 = arith.constant 0 : i32
      %sign3A_730 = arith.cmpi sgt, %add3A_726, %sign3A_729 : i32
      %sign3A_731 = arith.extui %sign3A_730 : i1 to i32
      %sign3A_732 = arith.constant 0 : i32
      %sign3A_733 = arith.cmpi slt, %add3A_726, %sign3A_732 : i32
      %sign3A_734 = arith.extui %sign3A_733 : i1 to i32
      %sign3A_735 = arith.subi %sign3A_731, %sign3A_734 : i32
      %sign3A_736 = arith.constant 0 : i32
      %sign3A_737 = arith.cmpi sgt, %jit3A_727, %sign3A_736 : i32
      %sign3A_738 = arith.extui %sign3A_737 : i1 to i32
      %sign3A_739 = arith.constant 0 : i32
      %sign3A_740 = arith.cmpi slt, %jit3A_727, %sign3A_739 : i32
      %sign3A_741 = arith.extui %sign3A_740 : i1 to i32
      %sign3A_742 = arith.subi %sign3A_738, %sign3A_741 : i32
      %ne3A_743 = arith.cmpi ne, %sign3A_735, %sign3A_742 : i32
      %rem3A_744 = arith.remsi %add3A_726, %jit3A_727 : i32
      %ne3A_745 = arith.constant 0 : i32
      %ne3A_746 = arith.cmpi ne, %rem3A_744, %ne3A_745 : i32
      %and3A_747 = arith.andi %ne3A_743, %ne3A_746 : i1
      %sub3A_748 = arith.constant 1 : i32
      %sub3A_749 = arith.subi %div3A_728, %sub3A_748 : i32
      %select_n3A_750 = arith.select %and3A_747, %sub3A_749, %div3A_728 : i32
      %jit3A_751 = arith.constant 16 : i32
      %eq3A_752 = arith.constant 0 : i32
      %eq3A_753 = arith.cmpi eq, %jit3A_751, %eq3A_752 : i32
      %jit3A_754 = arith.constant 1 : i32
      %select_n3A_755 = arith.select %eq3A_753, %jit3A_754, %jit3A_751 : i32
      %rem3A_756 = arith.remsi %add3A_726, %select_n3A_755 : i32
      %ne3A_757 = arith.constant 0 : i32
      %ne3A_758 = arith.cmpi ne, %rem3A_756, %ne3A_757 : i32
      %lt3A_759 = arith.constant 0 : i32
      %lt3A_760 = arith.cmpi slt, %rem3A_756, %lt3A_759 : i32
      %lt3A_761 = arith.constant 0 : i32
      %lt3A_762 = arith.cmpi slt, %select_n3A_755, %lt3A_761 : i32
      %ne3A_763 = arith.xori %lt3A_760, %lt3A_762 : i1
      %and3A_764 = arith.andi %ne3A_763, %ne3A_758 : i1
      %add3A_765 = arith.addi %rem3A_756, %select_n3A_755 : i32
      %select_n3A_766 = arith.select %and3A_764, %add3A_765, %rem3A_756 : i32
      %mul3A_767 = arith.constant 256 : i32
      %mul3A_768 = arith.muli %select_n3A_766, %mul3A_767 : i32
      %dma_start3A_769 = arith.constant 0 : i32
      %dma_start3A_770 = tpu.memref_slice %arg5[%select_n3A_750, %dma_start3A_769, %mul3A_768] : memref<200x64x4096xf32, #tpu.memory_space<hbm>> -> memref<1x64x256xf32, #tpu.memory_space<hbm>>
      %dma_start3A_771 = tpu.memref_squeeze %dma_start3A_770 : memref<1x64x256xf32, #tpu.memory_space<hbm>> -> memref<64x256xf32, #tpu.memory_space<hbm>>
      %dma_start3A_772 = arith.constant 0 : i32
      %dma_start3A_773 = tpu.memref_slice %arg5[%select_n3A_750, %dma_start3A_772, %mul3A_768] : memref<200x64x4096xf32, #tpu.memory_space<hbm>> -> memref<1x64x256xf32, #tpu.memory_space<hbm>>
      %dma_start3A_774 = tpu.memref_squeeze %dma_start3A_773 : memref<1x64x256xf32, #tpu.memory_space<hbm>> -> memref<64x256xf32, #tpu.memory_space<hbm>>
      tpu.enqueue_dma source(%arg14 : memref<64x256xf32, #tpu.memory_space<vmem>>) target(%dma_start3A_774 : memref<64x256xf32, #tpu.memory_space<hbm>>) target_semaphore(%arg22 : memref<!tpu.dma_semaphore, #tpu.memory_space<semaphore_mem>>)
    }
    %scan3A_106 = arith.constant 25 : i32
    %add3A_107 = arith.constant 96 : i32
    %add3A_108 = arith.addi %mul3A_2, %add3A_107 : i32
    %jit3A_109 = arith.constant 16 : i32
    %div3A_110 = arith.divsi %add3A_108, %jit3A_109 : i32
    %sign3A_111 = arith.constant 0 : i32
    %sign3A_112 = arith.cmpi sgt, %add3A_108, %sign3A_111 : i32
    %sign3A_113 = arith.extui %sign3A_112 : i1 to i32
    %sign3A_114 = arith.constant 0 : i32
    %sign3A_115 = arith.cmpi slt, %add3A_108, %sign3A_114 : i32
    %sign3A_116 = arith.extui %sign3A_115 : i1 to i32
    %sign3A_117 = arith.subi %sign3A_113, %sign3A_116 : i32
    %sign3A_118 = arith.constant 0 : i32
    %sign3A_119 = arith.cmpi sgt, %jit3A_109, %sign3A_118 : i32
    %sign3A_120 = arith.extui %sign3A_119 : i1 to i32
    %sign3A_121 = arith.constant 0 : i32
    %sign3A_122 = arith.cmpi slt, %jit3A_109, %sign3A_121 : i32
    %sign3A_123 = arith.extui %sign3A_122 : i1 to i32
    %sign3A_124 = arith.subi %sign3A_120, %sign3A_123 : i32
    %ne3A_125 = arith.cmpi ne, %sign3A_117, %sign3A_124 : i32
    %rem3A_126 = arith.remsi %add3A_108, %jit3A_109 : i32
    %ne3A_127 = arith.constant 0 : i32
    %ne3A_128 = arith.cmpi ne, %rem3A_126, %ne3A_127 : i32
    %and3A_129 = arith.andi %ne3A_125, %ne3A_128 : i1
    %sub3A_130 = arith.constant 1 : i32
    %sub3A_131 = arith.subi %div3A_110, %sub3A_130 : i32
    %select_n3A_132 = arith.select %and3A_129, %sub3A_131, %div3A_110 : i32
    %jit3A_133 = arith.constant 16 : i32
    %eq3A_134 = arith.constant 0 : i32
    %eq3A_135 = arith.cmpi eq, %jit3A_133, %eq3A_134 : i32
    %jit3A_136 = arith.constant 1 : i32
    %select_n3A_137 = arith.select %eq3A_135, %jit3A_136, %jit3A_133 : i32
    %rem3A_138 = arith.remsi %add3A_108, %select_n3A_137 : i32
    %ne3A_139 = arith.constant 0 : i32
    %ne3A_140 = arith.cmpi ne, %rem3A_138, %ne3A_139 : i32
    %lt3A_141 = arith.constant 0 : i32
    %lt3A_142 = arith.cmpi slt, %rem3A_138, %lt3A_141 : i32
    %lt3A_143 = arith.constant 0 : i32
    %lt3A_144 = arith.cmpi slt, %select_n3A_137, %lt3A_143 : i32
    %ne3A_145 = arith.xori %lt3A_142, %lt3A_144 : i1
    %and3A_146 = arith.andi %ne3A_145, %ne3A_140 : i1
    %add3A_147 = arith.addi %rem3A_138, %select_n3A_137 : i32
    %select_n3A_148 = arith.select %and3A_146, %add3A_147, %rem3A_138 : i32
    %mul3A_149 = arith.constant 256 : i32
    %mul3A_150 = arith.muli %select_n3A_148, %mul3A_149 : i32
    %dma_wait3A = arith.constant 0 : i32
    %dma_wait3A_151 = tpu.memref_slice %arg5[%select_n3A_132, %dma_wait3A, %mul3A_150] : memref<200x64x4096xf32, #tpu.memory_space<hbm>> -> memref<1x64x256xf32, #tpu.memory_space<hbm>>
    %dma_wait3A_152 = tpu.memref_squeeze %dma_wait3A_151 : memref<1x64x256xf32, #tpu.memory_space<hbm>> -> memref<64x256xf32, #tpu.memory_space<hbm>>
    %dma_wait3A_153 = arith.constant 0 : i32
    %dma_wait3A_154 = tpu.memref_slice %arg5[%select_n3A_132, %dma_wait3A_153, %mul3A_150] : memref<200x64x4096xf32, #tpu.memory_space<hbm>> -> memref<1x64x256xf32, #tpu.memory_space<hbm>>
    %dma_wait3A_155 = tpu.memref_squeeze %dma_wait3A_154 : memref<1x64x256xf32, #tpu.memory_space<hbm>> -> memref<64x256xf32, #tpu.memory_space<hbm>>
    tpu.wait_dma2 semaphore(%arg19 : memref<!tpu.dma_semaphore, #tpu.memory_space<semaphore_mem>>) src(%arg11 : memref<64x256xf32, #tpu.memory_space<vmem>>) dst(%dma_wait3A_155 : memref<64x256xf32, #tpu.memory_space<hbm>>)
    %add3A_156 = arith.constant 97 : i32
    %add3A_157 = arith.addi %mul3A_2, %add3A_156 : i32
    %jit3A_158 = arith.constant 16 : i32
    %div3A_159 = arith.divsi %add3A_157, %jit3A_158 : i32
    %sign3A_160 = arith.constant 0 : i32
    %sign3A_161 = arith.cmpi sgt, %add3A_157, %sign3A_160 : i32
    %sign3A_162 = arith.extui %sign3A_161 : i1 to i32
    %sign3A_163 = arith.constant 0 : i32
    %sign3A_164 = arith.cmpi slt, %add3A_157, %sign3A_163 : i32
    %sign3A_165 = arith.extui %sign3A_164 : i1 to i32
    %sign3A_166 = arith.subi %sign3A_162, %sign3A_165 : i32
    %sign3A_167 = arith.constant 0 : i32
    %sign3A_168 = arith.cmpi sgt, %jit3A_158, %sign3A_167 : i32
    %sign3A_169 = arith.extui %sign3A_168 : i1 to i32
    %sign3A_170 = arith.constant 0 : i32
    %sign3A_171 = arith.cmpi slt, %jit3A_158, %sign3A_170 : i32
    %sign3A_172 = arith.extui %sign3A_171 : i1 to i32
    %sign3A_173 = arith.subi %sign3A_169, %sign3A_172 : i32
    %ne3A_174 = arith.cmpi ne, %sign3A_166, %sign3A_173 : i32
    %rem3A_175 = arith.remsi %add3A_157, %jit3A_158 : i32
    %ne3A_176 = arith.constant 0 : i32
    %ne3A_177 = arith.cmpi ne, %rem3A_175, %ne3A_176 : i32
    %and3A_178 = arith.andi %ne3A_174, %ne3A_177 : i1
    %sub3A_179 = arith.constant 1 : i32
    %sub3A_180 = arith.subi %div3A_159, %sub3A_179 : i32
    %select_n3A_181 = arith.select %and3A_178, %sub3A_180, %div3A_159 : i32
    %jit3A_182 = arith.constant 16 : i32
    %eq3A_183 = arith.constant 0 : i32
    %eq3A_184 = arith.cmpi eq, %jit3A_182, %eq3A_183 : i32
    %jit3A_185 = arith.constant 1 : i32
    %select_n3A_186 = arith.select %eq3A_184, %jit3A_185, %jit3A_182 : i32
    %rem3A_187 = arith.remsi %add3A_157, %select_n3A_186 : i32
    %ne3A_188 = arith.constant 0 : i32
    %ne3A_189 = arith.cmpi ne, %rem3A_187, %ne3A_188 : i32
    %lt3A_190 = arith.constant 0 : i32
    %lt3A_191 = arith.cmpi slt, %rem3A_187, %lt3A_190 : i32
    %lt3A_192 = arith.constant 0 : i32
    %lt3A_193 = arith.cmpi slt, %select_n3A_186, %lt3A_192 : i32
    %ne3A_194 = arith.xori %lt3A_191, %lt3A_193 : i1
    %and3A_195 = arith.andi %ne3A_194, %ne3A_189 : i1
    %add3A_196 = arith.addi %rem3A_187, %select_n3A_186 : i32
    %select_n3A_197 = arith.select %and3A_195, %add3A_196, %rem3A_187 : i32
    %mul3A_198 = arith.constant 256 : i32
    %mul3A_199 = arith.muli %select_n3A_197, %mul3A_198 : i32
    %dma_wait3A_200 = arith.constant 0 : i32
    %dma_wait3A_201 = tpu.memref_slice %arg5[%select_n3A_181, %dma_wait3A_200, %mul3A_199] : memref<200x64x4096xf32, #tpu.memory_space<hbm>> -> memref<1x64x256xf32, #tpu.memory_space<hbm>>
    %dma_wait3A_202 = tpu.memref_squeeze %dma_wait3A_201 : memref<1x64x256xf32, #tpu.memory_space<hbm>> -> memref<64x256xf32, #tpu.memory_space<hbm>>
    %dma_wait3A_203 = arith.constant 0 : i32
    %dma_wait3A_204 = tpu.memref_slice %arg5[%select_n3A_181, %dma_wait3A_203, %mul3A_199] : memref<200x64x4096xf32, #tpu.memory_space<hbm>> -> memref<1x64x256xf32, #tpu.memory_space<hbm>>
    %dma_wait3A_205 = tpu.memref_squeeze %dma_wait3A_204 : memref<1x64x256xf32, #tpu.memory_space<hbm>> -> memref<64x256xf32, #tpu.memory_space<hbm>>
    tpu.wait_dma2 semaphore(%arg20 : memref<!tpu.dma_semaphore, #tpu.memory_space<semaphore_mem>>) src(%arg12 : memref<64x256xf32, #tpu.memory_space<vmem>>) dst(%dma_wait3A_205 : memref<64x256xf32, #tpu.memory_space<hbm>>)
    %add3A_206 = arith.constant 98 : i32
    %add3A_207 = arith.addi %mul3A_2, %add3A_206 : i32
    %jit3A_208 = arith.constant 16 : i32
    %div3A_209 = arith.divsi %add3A_207, %jit3A_208 : i32
    %sign3A_210 = arith.constant 0 : i32
    %sign3A_211 = arith.cmpi sgt, %add3A_207, %sign3A_210 : i32
    %sign3A_212 = arith.extui %sign3A_211 : i1 to i32
    %sign3A_213 = arith.constant 0 : i32
    %sign3A_214 = arith.cmpi slt, %add3A_207, %sign3A_213 : i32
    %sign3A_215 = arith.extui %sign3A_214 : i1 to i32
    %sign3A_216 = arith.subi %sign3A_212, %sign3A_215 : i32
    %sign3A_217 = arith.constant 0 : i32
    %sign3A_218 = arith.cmpi sgt, %jit3A_208, %sign3A_217 : i32
    %sign3A_219 = arith.extui %sign3A_218 : i1 to i32
    %sign3A_220 = arith.constant 0 : i32
    %sign3A_221 = arith.cmpi slt, %jit3A_208, %sign3A_220 : i32
    %sign3A_222 = arith.extui %sign3A_221 : i1 to i32
    %sign3A_223 = arith.subi %sign3A_219, %sign3A_222 : i32
    %ne3A_224 = arith.cmpi ne, %sign3A_216, %sign3A_223 : i32
    %rem3A_225 = arith.remsi %add3A_207, %jit3A_208 : i32
    %ne3A_226 = arith.constant 0 : i32
    %ne3A_227 = arith.cmpi ne, %rem3A_225, %ne3A_226 : i32
    %and3A_228 = arith.andi %ne3A_224, %ne3A_227 : i1
    %sub3A_229 = arith.constant 1 : i32
    %sub3A_230 = arith.subi %div3A_209, %sub3A_229 : i32
    %select_n3A_231 = arith.select %and3A_228, %sub3A_230, %div3A_209 : i32
    %jit3A_232 = arith.constant 16 : i32
    %eq3A_233 = arith.constant 0 : i32
    %eq3A_234 = arith.cmpi eq, %jit3A_232, %eq3A_233 : i32
    %jit3A_235 = arith.constant 1 : i32
    %select_n3A_236 = arith.select %eq3A_234, %jit3A_235, %jit3A_232 : i32
    %rem3A_237 = arith.remsi %add3A_207, %select_n3A_236 : i32
    %ne3A_238 = arith.constant 0 : i32
    %ne3A_239 = arith.cmpi ne, %rem3A_237, %ne3A_238 : i32
    %lt3A_240 = arith.constant 0 : i32
    %lt3A_241 = arith.cmpi slt, %rem3A_237, %lt3A_240 : i32
    %lt3A_242 = arith.constant 0 : i32
    %lt3A_243 = arith.cmpi slt, %select_n3A_236, %lt3A_242 : i32
    %ne3A_244 = arith.xori %lt3A_241, %lt3A_243 : i1
    %and3A_245 = arith.andi %ne3A_244, %ne3A_239 : i1
    %add3A_246 = arith.addi %rem3A_237, %select_n3A_236 : i32
    %select_n3A_247 = arith.select %and3A_245, %add3A_246, %rem3A_237 : i32
    %mul3A_248 = arith.constant 256 : i32
    %mul3A_249 = arith.muli %select_n3A_247, %mul3A_248 : i32
    %dma_wait3A_250 = arith.constant 0 : i32
    %dma_wait3A_251 = tpu.memref_slice %arg5[%select_n3A_231, %dma_wait3A_250, %mul3A_249] : memref<200x64x4096xf32, #tpu.memory_space<hbm>> -> memref<1x64x256xf32, #tpu.memory_space<hbm>>
    %dma_wait3A_252 = tpu.memref_squeeze %dma_wait3A_251 : memref<1x64x256xf32, #tpu.memory_space<hbm>> -> memref<64x256xf32, #tpu.memory_space<hbm>>
    %dma_wait3A_253 = arith.constant 0 : i32
    %dma_wait3A_254 = tpu.memref_slice %arg5[%select_n3A_231, %dma_wait3A_253, %mul3A_249] : memref<200x64x4096xf32, #tpu.memory_space<hbm>> -> memref<1x64x256xf32, #tpu.memory_space<hbm>>
    %dma_wait3A_255 = tpu.memref_squeeze %dma_wait3A_254 : memref<1x64x256xf32, #tpu.memory_space<hbm>> -> memref<64x256xf32, #tpu.memory_space<hbm>>
    tpu.wait_dma2 semaphore(%arg21 : memref<!tpu.dma_semaphore, #tpu.memory_space<semaphore_mem>>) src(%arg13 : memref<64x256xf32, #tpu.memory_space<vmem>>) dst(%dma_wait3A_255 : memref<64x256xf32, #tpu.memory_space<hbm>>)
    %add3A_256 = arith.constant 99 : i32
    %add3A_257 = arith.addi %mul3A_2, %add3A_256 : i32
    %jit3A_258 = arith.constant 16 : i32
    %div3A_259 = arith.divsi %add3A_257, %jit3A_258 : i32
    %sign3A_260 = arith.constant 0 : i32
    %sign3A_261 = arith.cmpi sgt, %add3A_257, %sign3A_260 : i32
    %sign3A_262 = arith.extui %sign3A_261 : i1 to i32
    %sign3A_263 = arith.constant 0 : i32
    %sign3A_264 = arith.cmpi slt, %add3A_257, %sign3A_263 : i32
    %sign3A_265 = arith.extui %sign3A_264 : i1 to i32
    %sign3A_266 = arith.subi %sign3A_262, %sign3A_265 : i32
    %sign3A_267 = arith.constant 0 : i32
    %sign3A_268 = arith.cmpi sgt, %jit3A_258, %sign3A_267 : i32
    %sign3A_269 = arith.extui %sign3A_268 : i1 to i32
    %sign3A_270 = arith.constant 0 : i32
    %sign3A_271 = arith.cmpi slt, %jit3A_258, %sign3A_270 : i32
    %sign3A_272 = arith.extui %sign3A_271 : i1 to i32
    %sign3A_273 = arith.subi %sign3A_269, %sign3A_272 : i32
    %ne3A_274 = arith.cmpi ne, %sign3A_266, %sign3A_273 : i32
    %rem3A_275 = arith.remsi %add3A_257, %jit3A_258 : i32
    %ne3A_276 = arith.constant 0 : i32
    %ne3A_277 = arith.cmpi ne, %rem3A_275, %ne3A_276 : i32
    %and3A_278 = arith.andi %ne3A_274, %ne3A_277 : i1
    %sub3A_279 = arith.constant 1 : i32
    %sub3A_280 = arith.subi %div3A_259, %sub3A_279 : i32
    %select_n3A_281 = arith.select %and3A_278, %sub3A_280, %div3A_259 : i32
    %jit3A_282 = arith.constant 16 : i32
    %eq3A_283 = arith.constant 0 : i32
    %eq3A_284 = arith.cmpi eq, %jit3A_282, %eq3A_283 : i32
    %jit3A_285 = arith.constant 1 : i32
    %select_n3A_286 = arith.select %eq3A_284, %jit3A_285, %jit3A_282 : i32
    %rem3A_287 = arith.remsi %add3A_257, %select_n3A_286 : i32
    %ne3A_288 = arith.constant 0 : i32
    %ne3A_289 = arith.cmpi ne, %rem3A_287, %ne3A_288 : i32
    %lt3A_290 = arith.constant 0 : i32
    %lt3A_291 = arith.cmpi slt, %rem3A_287, %lt3A_290 : i32
    %lt3A_292 = arith.constant 0 : i32
    %lt3A_293 = arith.cmpi slt, %select_n3A_286, %lt3A_292 : i32
    %ne3A_294 = arith.xori %lt3A_291, %lt3A_293 : i1
    %and3A_295 = arith.andi %ne3A_294, %ne3A_289 : i1
    %add3A_296 = arith.addi %rem3A_287, %select_n3A_286 : i32
    %select_n3A_297 = arith.select %and3A_295, %add3A_296, %rem3A_287 : i32
    %mul3A_298 = arith.constant 256 : i32
    %mul3A_299 = arith.muli %select_n3A_297, %mul3A_298 : i32
    %dma_wait3A_300 = arith.constant 0 : i32
    %dma_wait3A_301 = tpu.memref_slice %arg5[%select_n3A_281, %dma_wait3A_300, %mul3A_299] : memref<200x64x4096xf32, #tpu.memory_space<hbm>> -> memref<1x64x256xf32, #tpu.memory_space<hbm>>
    %dma_wait3A_302 = tpu.memref_squeeze %dma_wait3A_301 : memref<1x64x256xf32, #tpu.memory_space<hbm>> -> memref<64x256xf32, #tpu.memory_space<hbm>>
    %dma_wait3A_303 = arith.constant 0 : i32
    %dma_wait3A_304 = tpu.memref_slice %arg5[%select_n3A_281, %dma_wait3A_303, %mul3A_299] : memref<200x64x4096xf32, #tpu.memory_space<hbm>> -> memref<1x64x256xf32, #tpu.memory_space<hbm>>
    %dma_wait3A_305 = tpu.memref_squeeze %dma_wait3A_304 : memref<1x64x256xf32, #tpu.memory_space<hbm>> -> memref<64x256xf32, #tpu.memory_space<hbm>>
    tpu.wait_dma2 semaphore(%arg22 : memref<!tpu.dma_semaphore, #tpu.memory_space<semaphore_mem>>) src(%arg14 : memref<64x256xf32, #tpu.memory_space<vmem>>) dst(%dma_wait3A_305 : memref<64x256xf32, #tpu.memory_space<hbm>>)
    return
  }
}

</mosaic_0001>

<sc_bundles>
// kernel: kernel.3.cloned.1.call-start
scs
__scs_entry_jumppad:
0x0: {  	(pc) =	sbr.rel $0x88, $3  }
0x1: {  	(tag) =	ssettag $0x0;
	lr =	simm.s32 $0x1  }
0x2: {  	[smem:$0x3F9E] =	sst lr;
	_ =	strace $0xD0000000  }
0x3: {  	_ = 	snop  }
0x4: {  	_ = 	snop  }
0x5: {  	_ = 	snop  }
0x6: {  	_ = 	snop  }
0x7: {  	_ = 	snop  }
__scs_overlays_trampoline_lowered:
0x8: {  	[smem:$0x3FAD] =	sst s0  }
0x9: {  	[smem:$0x3FAE] =	sst s1  }
0xa: {  	[smem:$0x3FAF] =	sst s2  }
0xb: {  	[smem:$0x3FB0] =	sst s3  }
0xc: {  	[smem:$0x3FB1] =	sst s4  }
0xd: {  	[smem:$0x3FB2] =	sst s5  }
0xe: {  	[smem:$0x3FB3] =	sst s6  }
0xf: {  	[smem:$0x3FB4] =	sst s7  }
0x10: {  	[smem:$0x3FB5] =	sst s8  }
0x11: {  	[smem:$0x3FB6] =	sst s9;
	s0 =	simm.s32 @!p0 $0x0  }
0x12: {  	s1 =	sld [smem:$0x3F9C];
	s0 =	simm.s32 @p0 $0x1  }
0x13: {  	[smem:$0x3FB7] =	sst s0;
	s0 =	simm.s32 @!p1 $0x0  }
0x14: {  	s2 =	sld [smem:$0x3F9B];
	s0 =	simm.s32 @p1 $0x1  }
0x15: {  	[smem:$0x3FB8] =	sst s0;
	s0 =	simm.s32 @!p2 $0x0  }
0x16: {  	s3 =	sld [smem:$0x3FDB];
	s0 =	simm.s32 @p2 $0x1  }
0x17: {  	s4 =	simm.s32 $0x1BF5;
	[smem:$0x3FBA] =	sst s0  }
0x18: {  	s0 =	sld [smem:$0x3F9D];
	_ =	swait.ge [sflag:s4], $0x0  }
0x19: {  	s7 =	sld [smem:$0x3F9E]  }
0x1a: {  	s8 =	sadd.s32 $0xFFFFE003, lr  }
0x1b: {  	s9 =	sadd.s32 $0xFFFFFEF7, lr;
	s5 =	simm.s32 $0xFFFFFFFF;
	p2 =	slt.u32 s8, $0xFFFFF086  }
0x1c: {  	p1 =	slt.u32 s9, $0xF7A;
	s5 =	simm.s32 @!p2 $0x0  }
0x1d: {  	s5 =	simm.s32 @p1 $0x1;
	p0 =	seq.s32 s7, s2  }
0x1e: {  	s7 =	smul.u32 @!p0 $0xF7A, s2;
	p2 =	seq.s32 @!p0 s5, $0x0  }
0x1f: {  	s9 =	smul.u32 $0xF7A, s1;
	s8 =	simm.s32 @!p0 $0x1BF5;
	p2 =	por !p2, p0  }
0x20: {  	[sflag:s8] =	ssyncset.s32 @!p0 $0xFFFFF086;
	s6 =	sadd.s32 @!p0 s3, s7;
	s7 =	simm.s32 @!p0 $0x108  }
0x21: {  	s3 =	sadd.s32 s3, s9;
	s6 =	sadd.s32 @!p0 $0x88, s6;
	s7 =	simm.s32 @p2 $0x1082  }
0x22: {  	[simem:s7], [sflag:s8] =	dma.local @!p0 [hbm:s6], $0xF7A  }
0x23: {  	s9 =	sor.u32 $0xD0000000, s2;
	s6 =	simm.s32 $0x108;
	_ =	swait.ge @!p0 [sflag:s8], $0x0  }
0x24: {  	s3 =	sadd.s32 $0x88, s3;
	s6 =	simm.s32 @!p1 $0x1082;
	[sflag:s4] =	ssyncset.s32 $0xFFFFF086  }
0x25: {  	[simem:s6], [sflag:s4] =	dma.local [hbm:s3], $0xF7A  }
0x26: {  	[smem:$0x3F9E] =	sst s1;
	(tag) =	ssettag s2;
	_ =	strace s9  }
0x27: {  	s1 =	sld [smem:$0x3FAE]  }
0x28: {  	s2 =	sld [smem:$0x3FAF]  }
0x29: {  	s4 =	sld [smem:$0x3FB1]  }
0x2a: {  	p0 =	seq.s32 s5, $0x0;
	s5 =	sld [smem:$0x3FB2]  }
0x2b: {  	s6 =	sld [smem:$0x3FB3]  }
0x2c: {  	s7 =	sld [smem:$0x3FB4]  }
0x2d: {  	s3 =	simm.s32 $0x108;
	s8 =	sld [smem:$0x3FB5]  }
0x2e: {  	s3 =	simm.s32 @!p0 $0x1082;
	s9 =	sld [smem:$0x3FB6]  }
0x2f: {  	lr =	sadd.s32 s0, s3;
	s0 =	sld [smem:$0x3FAD]  }
0x30: {  	s3 =	sld [smem:$0x3FB0]  }
0x31: {  	[smem:$0x3FB9] =	sst s10  }
0x32: {  	s10 =	sld [smem:$0x3FB7];
	_ =	sdelay $0x3  }
0x33: {  	p0 =	seq.s32 s10, $0x1;
	s10 =	sld [smem:$0x3FB9];
	_ =	sdelay $0x3  }
0x34: {  	[smem:$0x3FB9] =	sst s10  }
0x35: {  	s10 =	sld [smem:$0x3FB8];
	_ =	sdelay $0x3  }
0x36: {  	p1 =	seq.s32 s10, $0x1;
	s10 =	sld [smem:$0x3FB9];
	_ =	sdelay $0x3  }
0x37: {  	[smem:$0x3FB9] =	sst s10  }
0x38: {  	s10 =	sld [smem:$0x3FBA]  }
0x39: {  	_ = 	snop;
	(pc) =	sbr.ind lr, $3  }
0x3a: {  	_ = 	snop  }
0x3b: {  	_ = 	snop  }
0x3c: {  	p2 =	seq.s32 s10, $0x1;
	s10 =	sld [smem:$0x3FB9]  }
0x3d: {  	_ =	shalt  }
0x3e: {  	_ =	shalt  }
0x3f: {  	_ =	shalt  }
0x40: {  	_ =	shalt  }
0x41: {  	_ =	shalt  }
0x42: {  	_ =	shalt  }
0x43: {  	_ =	shalt  }
0x44: {  	_ =	shalt  }
0x45: {  	_ =	shalt  }
0x46: {  	_ =	shalt  }
0x47: {  	_ =	shalt  }
0x48: {  	_ =	shalt  }
0x49: {  	_ =	shalt  }
0x4a: {  	_ =	shalt  }
0x4b: {  	_ =	shalt  }
0x4c: {  	_ =	shalt  }
0x4d: {  	_ =	shalt  }
0x4e: {  	_ =	shalt  }
0x4f: {  	_ =	shalt  }
0x50: {  	_ =	shalt  }
0x51: {  	_ =	shalt  }
0x52: {  	_ =	shalt  }
0x53: {  	_ =	shalt  }
0x54: {  	_ =	shalt  }
0x55: {  	_ =	shalt  }
0x56: {  	_ =	shalt  }
0x57: {  	_ =	shalt  }
0x58: {  	_ =	shalt  }
0x59: {  	_ =	shalt  }
0x5a: {  	_ =	shalt  }
0x5b: {  	_ =	shalt  }
0x5c: {  	_ =	shalt  }
0x5d: {  	_ =	shalt  }
0x5e: {  	_ =	shalt  }
0x5f: {  	_ =	shalt  }
0x60: {  	_ =	shalt  }
0x61: {  	_ =	shalt  }
0x62: {  	_ =	shalt  }
0x63: {  	_ =	shalt  }
0x64: {  	_ =	shalt  }
0x65: {  	_ =	shalt  }
0x66: {  	_ =	shalt  }
0x67: {  	_ =	shalt  }
0x68: {  	_ =	shalt  }
0x69: {  	_ =	shalt  }
0x6a: {  	_ =	shalt  }
0x6b: {  	_ =	shalt  }
0x6c: {  	_ =	shalt  }
0x6d: {  	_ =	shalt  }
0x6e: {  	_ =	shalt  }
0x6f: {  	_ =	shalt  }
0x70: {  	_ =	shalt  }
0x71: {  	_ =	shalt  }
0x72: {  	_ =	shalt  }
0x73: {  	_ =	shalt  }
0x74: {  	_ =	shalt  }
0x75: {  	_ =	shalt  }
0x76: {  	_ =	shalt  }
0x77: {  	_ =	shalt  }
0x78: {  	_ =	shalt  }
0x79: {  	_ =	shalt  }
0x7a: {  	_ =	shalt  }
0x7b: {  	_ =	shalt  }
0x7c: {  	_ =	shalt  }
0x7d: {  	_ =	shalt  }
0x7e: {  	_ =	shalt  }
0x7f: {  	_ =	shalt  }
0x80: {  	_ =	shalt  }
0x81: {  	_ =	shalt  }
0x82: {  	_ =	shalt  }
0x83: {  	_ =	shalt  }
0x84: {  	_ =	shalt  }
0x85: {  	_ =	shalt  }
0x86: {  	_ =	shalt  }
0x87: {  	_ =	shalt  }
.Lfunc_end0:
.L_simem_size_0:
called_computation_lowered:
.L_overlay_start_0:
0x88: {  	s2 =	sld [smem:$0x3FD9]  }
0x89: {  	s3 =	sld [smem:$0x3FFE];
	_ =	sdelay $0x1  }
0x8a: {  	s1 =	srdreg.scid  }
0x8b: {  	s0 =	sand.u32 $0x1, s1  }
0x8c: {  	s17 =	sshll.u32 s0, $0xA;
	s2 =	sadd.s32 s3, s2  }
0x8d: {  	s2 =	sadd.s32 s2, s17  }
0x8e: {  	[smem:$0x3FC5] =	sst s2  }
0x8f: {  	_ = 	snop  }
0x90: {  	s2 =	sld [smem:$0x3FC9]  }
0x91: {  	s18 =	sld [smem:$0x3FD0];
	(tm) =	ssettm $0x1  }
0x92: {  	s4 =	sld [smem:$0x3FFB];
	_ =	sdelay $0x3  }
0x93: {  	_ =	strace s4  }
0x94: {  	s4 =	sld [smem:$0x3FFC];
	_ =	sdelay $0x3  }
0x95: {  	_ =	strace s4  }
0x96: {  	s4 =	sld [smem:$0x3FFD];
	_ =	sdelay $0x3  }
0x97: {  	_ =	strace s4  }
0x98: {  	_ =	strace $0x8FFFFFFF  }
0x99: {  	s19 =	sld [smem:$0x3FDB];
	_ =	sdelay $0x1  }
0x9a: {  	s5 =	simm.s32 $_scs_section_size  }
0x9b: {  	s6 =	simm.s32 $_size__tile_overlayer_lowered;
	s7 =	simm.s32 $_tile_overlayer_lowered  }
0x9c: {  	s22 =	simm.s32 $0x1BFF;
	s21 =	sshll.u32 s7, $0x1;
	s4 =	sadd.s32 s5, s19  }
0x9d: {  	s8 =	simm.s32 $0x0;
	s20 =	sshll.u32 s6, $0x1;
	s6 =	sadd.s32 s21, s4  }
0x9e: {  	[timem:s8], [sflag:s22] =	dma.local [hbm:s6], s20  }
0x9f: {  	_ =	swait.ge [sflag:s22], s20  }
0xa0: {  	s5 =	ssub.s32 $0x0, s20;
	[sflag:s22] =	ssyncset.done $0x0  }
0xa1: {  	[sflag:s22] =	ssyncadd.s32 s5;
	_ =	sdelay $0x1  }
0xa2: {  	s23 =	simm.s32 $0x1B8B  }
0xa3: {  	_ =	swait.ge [sflag:s23], $0x1  }
0xa4: {  	[sflag:s23] =	ssyncset.done $0x0  }
0xa5: {  	s25 =	simm.s32 $0x1B8E;
	s24 =	sld [smem:$0x3FFE];
	[sflag:s23] =	ssyncadd.s32 $0xFFFFFFFF  }
0xa6: {  	s26 =	simm.s32 $execute0_lowered;
	[smem:$0x3FD2] =	sst s25  }
0xa7: {  	s6 =	sshll.u32 s26, $0x1;
	_ =	strace $0x80000046;
	[dreg:$0x1] =	wrdreg $0xFFFFFFFF  }
0xa8: {  	s28 =	simm.s32 $_size_execute0_lowered;
	s4 =	sadd.s32 s4, s6;
	[dreg:$0x0] =	wrdreg $0x0  }
0xa9: {  	s6 =	sshll.u32 s28, $0x1;
	[dreg:$0x2] =	wrdreg s4  }
0xaa: {  	[dreg:$0x3] =	wrdreg s6  }
0xab: {  	[dreg:$0x4] =	wrdreg $0xC0  }
0xac: {  	_ =	task [dreg:s8], $0x5FFFF  }
0xad: {  	[dreg:$0x1] =	wrdreg $0xFFFFFFFF  }
0xae: {  	[dreg:$0x0] =	wrdreg $0x60  }
0xaf: {  	[dreg:$0x2] =	wrdreg s2  }
0xb0: {  	[dreg:$0x3] =	wrdreg s24  }
0xb1: {  	[dreg:$0x4] =	wrdreg s18  }
0xb2: {  	[dreg:$0x5] =	wrdreg $0x9  }
0xb3: {  	_ =	task.clear_ibuf [dreg:s8], $0x6FFFF;
	_ =	strace $0x90000046  }
0xb4: {  	s29 =	simm.s32 $0x9;
	_ =	strace $0x80000048  }
0xb5: {  	_ =	swait.ge [sflag:s29], $0x1  }
0xb6: {  	[sflag:s29] =	ssyncadd.s32 $0xFFFFFFFF  }
0xb7: {  	_ =	strace $0x90000048  }
0xb8: {  	_ =	sfence  }
0xb9: {  	s30 =	sld [smem:$0x0];
	_ =	sdelay $0x2  }
0xba: {  	s31 =	sshll.u32 s1, $0xD;
	s1 =	sshrl.u32 s1, $0x2  }
0xbb: {  	s3 =	sand.u32 $0x4000, s31;
	s1 =	sadd.s32 s1, s30  }
0xbc: {  	s0 =	sor.u32 s3, s0;
	s1 =	sshll.u32 s1, $0x11  }
0xbd: {  	s0 =	sor.u32 s1, s0  }
0xbe: {  	s0 =	sadd.s32 $0x8F2B, s0  }
0xbf: {  	[sflag:s0] =	ssyncadd.remote.s32 $0x1  }
0xc0: {  	_ =	sfence.sel $0xFFFF  }
0xc1: {  	[dreg:$0x0] =	wrdreg $0xFFFFFFFF;
	(pc) =	sbr.abs _section_cstart, $3  }
0xc2: {  	[dreg:$0x1] =	wrdreg $0xFFFFFFFF  }
0xc3: {  	_ =	task.clear_ibuf [dreg:s8], $0x2FFFF;
	_ =	strace $0x9FFFFFFF  }
0xc4: {  	(tm) =	ssettm $0x7FFFFFFF  }
0xc5: {  	_ =	shalt  }
tec
execute0_lowered:
.L_overlay_start_1:
0x0: {  	(tag) =	ssettag $0x1  }
0x1: {  	s0 =	rddreg [dreg:$0x0]  }
0x2: {  	s2 =	rddreg [dreg:$0x1]  }
0x3: {  	s1 =	srdreg.scid;
	s3 =	rddreg [dreg:$0x2]  }
0x4: {  	s7 =	stileid.u32;
	s4 =	simm.s32 $0x0;
	s17 =	simm.s32 $0x800  }
0x5: {  	s18 =	simm.s32 $0x8000;
	s19 =	simm.s32 $0x3600;
	s28 =	simm.s32 $0x2  }
0x6: {  	s29 =	simm.s32 $0x3;
	s30 =	simm.s32 $0x4;
	s1 =	sand.u32 $0x1, s1  }
0x7: {  	[smem:$0x7FF] =	sst s4;
	s6 =	sadd.s32 $0xC00, s2;
	s2 =	sadd.s32 $0x400, s2  }
0x8: {  	s5 =	sshll.u32 s1, $0x4;
	_ =	strace $0x80000047;
	s1 =	ssub.s32 $0x2, s1  }
0x9: {  	[dreg:$0x4] =	wrdreg s2;
	s5 =	sor.u32 s7, s5;
	s7 =	sshll.u32 s7, $0xA  }
0xa: {  	s21 =	sshrl.u32 s1, $0x1;
	s5 =	smul.u32 $0x64, s5;
	s7 =	sand.u32 $0xC00, s7  }
0xb: {  	s1 =	ssub.s32 s1, s21;
	s21 =	simm.s32 $0x7600;
	s23 =	sor.u32 $0x100, s7  }
0xc: {  	s1 =	smax.u32 s1, $0x1;
	s8 =	sshll.u32 s5, $0x8;
	s24 =	sshll.u32 s5, $0xB  }
0xd: {  	s26 =	sadd.s32 s0, s23;
	s31 =	sadd.s32 $0x4, s5;
	s8 =	sand.u32 $0xFF000, s8  }
0xe: {  	s13 =	sadd.s32 $0x5, s5;
	[dreg:$0xa] =	wrdreg s1;
	s9 =	sor.u32 s7, s8  }
0xf: {  	[dreg:$0x9] =	wrdreg s31;
	s8 =	sor.u32 s23, s8;
	s22 =	sshrl.u32 s9, $0x3  }
0x10: {  	s7 =	sadd.s32 s0, s7;
	s8 =	sshrl.u32 s8, $0x3;
	s2 =	sadd.s32 s6, s22  }
0x11: {  	s25 =	sadd.s32 s6, s8;
	[dreg:$0x5] =	wrdreg s2;
	s2 =	sand.u32 $0x7F8000, s24  }
0x12: {  	s23 =	simm.s32 $0xB600;
	[dreg:$0x7] =	wrdreg s25;
	s7 =	sadd.s32 s2, s7  }
0x13: {  	v1 =	vimm.s32 $0x0;
	vm0 =	vcmask $0x300;
	s24 =	simm.s32 $0x1;
	s2 =	sadd.s32 s2, s26;
	[dreg:$0x6] =	wrdreg s7  }
0x14: {  	v0 =	vlaneseq.u32;
	v1 =	vsel vm0, $0xB, v1;
	s26 =	simm.s32 $0xF600;
	[dreg:$0x8] =	wrdreg s2;
	s7 =	simm.s32 $0x0  }
.LBB2_1:
0x15: {  	[dreg:$0xb] =	wrdreg s7  }
0x16: {  	s1 =	rddreg [dreg:$0x4];
	s15 =	simm.s32 $0x9  }
0x17: {  	[tilespmem:s4], [sflag:$0x9] =	stream.linear.gather [hbm4b:s1+s4], $0x3200, $0x38;
	[tilespmem:$0x13600] =	vst v63  }
0x18: {  	_ =	swait.ge [sflag:s15], $0x3200  }
0x19: {  	[sflag:s15] =	ssyncset.done $0x0  }
0x1a: {  	s2 =	simm.s32 $0x3200;
	s16 =	rddreg [dreg:$0x5];
	[sflag:s15] =	ssyncadd.s32 $0xFFFFCE00  }
0x1b: {  	[tilespmem:s2], [sflag:$0x1] =	stream.linear.gather [hbm4b:s16+s4], $0x100, $0x38;
	[tilespmem:$0x13600] =	vst v63  }
0x1c: {  	s20 =	rddreg [dreg:$0x6]  }
0x1d: {  	[tilespmem:s19], [sflag:$0x1] =	stream.strided.gather [hbm4b:s20+s17], $0x4000, s18, s17, $0x38;
	[tilespmem:$0x13600] =	vst v63  }
0x1e: {  	s25 =	simm.s32 $0x3300;
	s22 =	rddreg [dreg:$0x7]  }
0x1f: {  	[tilespmem:s25], [sflag:$0x2] =	stream.linear.gather [hbm4b:s22+s4], $0x100, $0x38;
	[tilespmem:$0x13600] =	vst v63  }
0x20: {  	s7 =	simm.s32 $0x0;
	s31 =	rddreg [dreg:$0x8]  }
0x21: {  	[tilespmem:s21], [sflag:$0x2] =	stream.strided.gather [hbm4b:s31+s17], $0x4000, s18, s17, $0x38;
	[tilespmem:$0x13600] =	vst v63  }
.LBB2_2:
0x22: {  	s8 =	sshll.u32 s7, $0x2;
	p0 =	seq.s32 s7, $0x0  }
0x23: {  	s1 =	sor.u32 $0x2, s8;
	s2 =	simm.s32 @!p0 $0x7  }
0x24: {  	_ =	swait.ge @!p0 [sflag:s2], $0x4000;
	s1 =	sadd.s32 s5, s1  }
0x25: {  	s11 =	simm.s32 $0x3400;
	[sflag:s2] =	ssyncset.done @!p0 $0x0;
	s9 =	sshll.u32 s1, $0x5  }
0x26: {  	s10 =	sshll.u32 s1, $0x8;
	s14 =	sshll.u32 s1, $0xB;
	[sflag:s2] =	ssyncadd.s32 @!p0 $0xFFFFC000  }
0x27: {  	s25 =	sand.u32 $0x1FFFFFC0, s9;
	s9 =	simm.s32 $0x0;
	s10 =	sand.u32 $0xE00, s10  }
0x28: {  	s1 =	sand.u32 $0x1FFF8000, s14;
	s2 =	sadd.s32 s6, s25;
	s31 =	sadd.s32 s0, s10  }
0x29: {  	[tilespmem:s11], [sflag:$0x3] =	stream.linear.gather [hbm4b:s2+s9], $0x100, $0x38;
	[tilespmem:$0x13600] =	vst v63  }
0x2a: {  	s1 =	sadd.s32 s1, s31  }
0x2b: {  	[tilespmem:s23], [sflag:$0x3] =	stream.strided.gather [hbm4b:s1+s17], $0x4000, s18, s17, $0x38;
	[tilespmem:$0x13600] =	vst v63  }
0x2c: {  	_ =	swait.ge [sflag:s24], $0x100  }
0x2d: {  	[sflag:s24] =	ssyncset.done $0x0  }
0x2e: {  	[sflag:s24] =	ssyncadd.s32 $0xFFFFFF00  }
0x2f: {  	_ =	swait.ge [sflag:s24], $0x4000  }
0x30: {  	[sflag:s24] =	ssyncset.done $0x0  }
0x31: {  	s11 =	simm.s32 $0x0;
	[sflag:s24] =	ssyncadd.s32 $0xFFFFC000  }
.LBB2_3:
0x32: {  	s1 =	sshll.u32 s11, $0x4  }
0x33: {  	v12 =	vmov s9;
	s15 =	simm.s32 $0x1;
	v2 =	vmov s1  }
0x34: {  	s2 =	simm.s32 $0x2;
	s16 =	simm.s32 $0x3;
	s20 =	simm.s32 $0x4;
	v3 =	vor.u32 s1, v0;
	v12 =	vshrl.u32 v12, $0x3;
	v13 =	vmov s15  }
0x35: {  	s22 =	simm.s32 $0x6;
	s31 =	simm.s32 $0x7;
	v14 =	vmov s2;
	v15 =	vmov s16;
	v16 =	vmov s20  }
0x36: {  	s15 =	simm.s32 $0x5;
	v18 =	vmov s22;
	v20 =	vmov s31;
	v2 =	vshll.u32 v2, $0x3  }
0x37: {  	v10 =	vld [tilespmem:s1+$0x3200];
	v17 =	vmov s15;
	v12 =	vshll.u32 v12, v1;
	v13 =	vshrl.u32 v13, $0x3  }
0x38: {  	v14 =	vshrl.u32 v14, $0x3;
	v15 =	vshrl.u32 v15, $0x3;
	v16 =	vshrl.u32 v16, $0x3  }
0x39: {  	v20 =	vshrl.u32 v20, $0x3;
	v18 =	vshrl.u32 v18, $0x3;
	v9 =	vand.u32 $0x400, v2  }
0x3a: {  	v2 =	vand.u32 $0x7F, v3;
	v20 =	vshll.u32 v20, v1;
	v13 =	vshll.u32 v13, v1  }
0x3b: {  	s25 =	simm.s32 $0x578;
	v14 =	vshll.u32 v14, v1;
	v15 =	vshll.u32 v15, v1;
	v16 =	vshll.u32 v16, v1  }
0x3c: {  	s12 =	simm.s32 $0xC8;
	v8 =	vor.u32 $0x80, v9;
	v7 =	vor.u32 $0x100, v9;
	v19 =	vadd.s32 s25, v10  }
0x3d: {  	s16 =	simm.s32 $0x190;
	v6 =	vor.u32 $0x180, v9;
	v5 =	vor.u32 $0x200, v9;
	v21 =	vadd.s32 s12, v10  }
0x3e: {  	s31 =	simm.s32 $0x0;
	v11 =	vor.u32 $0x380, v9;
	v12 =	vor.u32 v9, v12;
	v22 =	vadd.s32 s16, v10  }
0x3f: {  	s20 =	simm.s32 $0x258;
	v20 =	vor.u32 v11, v20;
	v12 =	vbroadcast v12, $0x0;
	v25 =	vadd.s32 s31, v10  }
0x40: {  	s22 =	simm.s32 $0x320;
	s2 =	simm.s32 $0x4B0;
	v13 =	vor.u32 v8, v13;
	v14 =	vor.u32 v7, v14;
	v23 =	vadd.s32 s20, v10  }
0x41: {  	s25 =	simm.s32 $0x3E8;
	v24 =	vadd.s32 s22, v10;
	v27 =	vadd.s32 s2, v10;
	v20 =	vbroadcast v20, $0x0;
	v19 =	vld.idx.msk [tilespmem:v19+s4+$0x0], $0xffff  }
0x42: {  	v13 =	vbroadcast v13, $0x0;
	v26 =	vadd.s32 s25, v10;
	v60 =	vor.u32 v2, v12;
	v21 =	vld.idx.msk [tilespmem:v21+s4+$0x0], $0xffff  }
0x43: {  	v12 =	vbroadcast v14, $0x0;
	v14 =	vor.u32 v6, v15;
	v20 =	vor.u32 v2, v20;
	v28 =	vld.idx.msk [tilespmem:v22+s4+$0x0], $0xffff  }
0x44: {  	v15 =	vor.u32 v2, v13;
	v13 =	vbroadcast v14, $0x0;
	v14 =	vor.u32 v5, v16;
	v22 =	vld.idx.msk [tilespmem:v25+s4+$0x0], $0xffff  }
0x45: {  	v17 =	vshrl.u32 v17, $0x3;
	v16 =	vor.u32 v2, v12;
	v12 =	vbroadcast v14, $0x0;
	v23 =	vld.idx.msk [tilespmem:v23+s4+$0x0], $0xffff  }
0x46: {  	v18 =	vshll.u32 v18, v1;
	v4 =	vor.u32 $0x280, v9;
	v17 =	vshll.u32 v17, v1;
	v24 =	vld.idx.msk [tilespmem:v24+s4+$0x0], $0xffff  }
0x47: {  	v3 =	vor.u32 $0x300, v9;
	v14 =	vor.u32 v4, v17;
	v61 =	vor.u32 v2, v12;
	v12 =	vld.idx.msk [tilespmem:v27+s4+$0x0], $0xffff  }
0x48: {  	v18 =	vor.u32 v3, v18;
	v17 =	vor.u32 v2, v13;
	v14 =	vbroadcast v14, $0x0;
	v13 =	vld.idx.msk [tilespmem:v26+s4+$0x0], $0xffff  }
0x49: {  	s15 =	simm.s32 $0x9;
	s16 =	simm.s32 $0xA;
	[tilespmem:v20+s19+$0x0] =	vst.idx.add.f32.msk $0xffff, v19;
	v20 =	vbroadcast v18, $0x0  }
0x4a: {  	v62 =	vmov s15;
	s20 =	simm.s32 $0xB;
	s22 =	simm.s32 $0xC;
	v63 =	vmov s16;
	[tilespmem:v60+s19+$0x0] =	vst.idx.add.f32.msk $0xffff, v22;
	v18 =	vor.u32 v2, v14  }
0x4b: {  	s12 =	simm.s32 $0x8;
	s25 =	simm.s32 $0xD;
	v29 =	vmov s20;
	v30 =	vmov s22;
	[tilespmem:v15+s19+$0x0] =	vst.idx.add.f32.msk $0xffff, v21;
	v20 =	vor.u32 v2, v20  }
0x4c: {  	s31 =	simm.s32 $0xE;
	v19 =	vmov s12;
	v22 =	vmov s25;
	[tilespmem:v16+s19+$0x0] =	vst.idx.add.f32.msk $0xffff, v28;
	v15 =	vshrl.u32 v62, $0x3  }
0x4d: {  	v21 =	vmov s31;
	[tilespmem:v17+s19+$0x0] =	vst.idx.add.f32.msk $0xffff, v23;
	v16 =	vshrl.u32 v29, $0x3;
	v19 =	vshrl.u32 v19, $0x3  }
0x4e: {  	s1 =	simm.s32 $0xBB8;
	s15 =	simm.s32 $0xF;
	s2 =	simm.s32 $0x10;
	v17 =	vshrl.u32 v30, $0x3;
	[tilespmem:v61+s19+$0x0] =	vst.idx.add.f32.msk $0xffff, v24;
	v14 =	vshll.u32 v19, v1;
	v19 =	vshrl.u32 v63, $0x3  }
.LBB2_4:
0x4f: {  	p1 =	slt.u32 s2, $0x38;
	s16 =	sadd.s32 $0xFFFFFB50, s1;
	s20 =	sadd.s32 $0xFFFFFC18, s1;
	v22 =	vshrl.u32 v22, $0x3;
	v23 =	vadd.s32 s1, v10;
	v24 =	vmov s15;
	[tilespmem:v18+s19+$0x0] =	vst.idx.add.f32.msk $0xffff, v13  }
0x50: {  	s15 =	sadd.s32 $0xFFFFFCE0, s1;
	v13 =	vadd.s32 s16, v10;
	v18 =	vadd.s32 s20, v10;
	s16 =	sadd.s32 $0xFFFFFDA8, s1;
	s20 =	sadd.s32 $0xFFFFFE70, s1;
	v24 =	vshrl.u32 v24, $0x3;
	[tilespmem:v20+s19+$0x0] =	vst.idx.add.f32.msk $0xffff, v12  }
0x51: {  	s31 =	sadd.s32 $0xFFFFFA88, s1;
	v12 =	vadd.s32 s15, v10;
	s15 =	sadd.s32 $0xFFFFFF38, s1;
	v20 =	vadd.s32 s16, v10;
	v24 =	vshll.u32 v24, v1  }
0x52: {  	v25 =	vadd.s32 s31, v10;
	v26 =	vadd.s32 s20, v10;
	v24 =	vor.u32 v11, v24  }
0x53: {  	v21 =	vshrl.u32 v21, $0x3;
	v27 =	vadd.s32 s15, v10;
	v24 =	vbroadcast v24, $0x0  }
0x54: {  	v14 =	vor.u32 v9, v14;
	v15 =	vshll.u32 v15, v1;
	v19 =	vshll.u32 v19, v1;
	v23 =	vld.idx.msk [tilespmem:v23+s4+$0x0], $0xffff  }
0x55: {  	v28 =	vld.idx.msk [tilespmem:v13+s4+$0x0], $0xffff;
	v13 =	vshll.u32 v16, v1;
	v16 =	vshll.u32 v17, v1;
	v17 =	vor.u32 v2, v24  }
0x56: {  	v14 =	vbroadcast v14, $0x0;
	v15 =	vor.u32 v8, v15;
	v24 =	vld.idx.msk [tilespmem:v18+s4+$0x0], $0xffff;
	v18 =	vshll.u32 v22, v1  }
0x57: {  	v19 =	vor.u32 v7, v19;
	v21 =	vshll.u32 v21, v1;
	v15 =	vbroadcast v15, $0x0;
	v22 =	vld.idx.msk [tilespmem:v25+s4+$0x0], $0xffff  }
0x58: {  	v19 =	vbroadcast v19, $0x0;
	v14 =	vor.u32 v2, v14;
	v25 =	vld.idx.msk [tilespmem:v12+s4+$0x0], $0xffff;
	v12 =	vor.u32 v6, v13  }
0x59: {  	v15 =	vor.u32 v2, v15;
	v13 =	vor.u32 v5, v16;
	v12 =	vbroadcast v12, $0x0;
	v29 =	vld.idx.msk [tilespmem:v20+s4+$0x0], $0xffff  }
0x5a: {  	v18 =	vor.u32 v4, v18;
	v16 =	vor.u32 v2, v19;
	v19 =	vbroadcast v13, $0x0;
	[tilespmem:v17+s19+$0x0] =	vst.idx.add.f32.msk $0xffff, v23  }
0x5b: {  	v18 =	vbroadcast v18, $0x0;
	v20 =	vor.u32 v3, v21;
	v17 =	vor.u32 v2, v12;
	v13 =	vld.idx.msk [tilespmem:v26+s4+$0x0], $0xffff  }
0x5c: {  	v21 =	vmov s2;
	v23 =	vor.u32 v2, v19;
	v19 =	vbroadcast v20, $0x0;
	v12 =	vld.idx.msk [tilespmem:v27+s4+$0x0], $0xffff  }
.Ltmp0:
0x5d: {  	s15 =	sadd.s32 $0x1, s2;
	s16 =	sadd.s32 $0x2, s2;
	v21 =	vshrl.u32 v21, $0x3;
	v18 =	vor.u32 v2, v18;
	[tilespmem:v14+s19+$0x0] =	vst.idx.add.f32.msk $0xffff, v22;
	(pc) =	sbr.rel @p1 .LBB2_4-.Ltmp0, $4  }
0x5e: {  	s20 =	sadd.s32 $0x5, s2;
	v26 =	vmov s15;
	s15 =	sadd.s32 $0x3, s2;
	v27 =	vmov s16;
	s16 =	sadd.s32 $0x4, s2;
	v20 =	vor.u32 v2, v19;
	[tilespmem:v15+s19+$0x0] =	vst.idx.add.f32.msk $0xffff, v28  }
0x5f: {  	v30 =	vmov s16;
	v22 =	vmov s20;
	v28 =	vmov s15;
	s15 =	sadd.s32 $0x6, s2;
	[tilespmem:v16+s19+$0x0] =	vst.idx.add.f32.msk $0xffff, v24  }
0x60: {  	v14 =	vshll.u32 v21, v1;
	v15 =	vshrl.u32 v26, $0x3;
	v21 =	vmov s15;
	[tilespmem:v17+s19+$0x0] =	vst.idx.add.f32.msk $0xffff, v25  }
0x61: {  	s1 =	sadd.s32 $0x640, s1;
	v19 =	vshrl.u32 v27, $0x3;
	v16 =	vshrl.u32 v28, $0x3;
	s15 =	sadd.s32 $0x7, s2;
	s2 =	sadd.s32 $0x8, s2;
	v17 =	vshrl.u32 v30, $0x3;
	[tilespmem:v23+s19+$0x0] =	vst.idx.add.f32.msk $0xffff, v29  }
0x62: {  	v22 =	vshrl.u32 v22, $0x3  }
0x63: {  	s2 =	sadd.s32 $0xFFFFFB50, s1;
	v23 =	vadd.s32 s1, v10;
	v24 =	vmov s15;
	v54 =	vshrl.u32 v21, $0x3  }
0x64: {  	s16 =	sadd.s32 $0xFFFFFC18, s1;
	v9 =	vor.u32 v9, v14;
	v55 =	vshll.u32 v15, v1;
	v25 =	vadd.s32 s2, v10  }
0x65: {  	s20 =	sadd.s32 $0xFFFFFA88, s1;
	v56 =	vshll.u32 v19, v1;
	v16 =	vshll.u32 v16, v1;
	v26 =	vadd.s32 s16, v10  }
0x66: {  	s22 =	sadd.s32 $0xFFFFFDA8, s1;
	s25 =	sadd.s32 $0xFFFFFE70, s1;
	[tilespmem:v18+s19+$0x0] =	vst.idx.add.f32.msk $0xffff, v13;
	v17 =	vshll.u32 v17, v1;
	v24 =	vshrl.u32 v24, $0x3;
	v51 =	vadd.s32 s20, v10  }
0x67: {  	s31 =	sadd.s32 $0xFFFFFF38, s1;
	[tilespmem:v20+s19+$0x0] =	vst.idx.add.f32.msk $0xffff, v12;
	v28 =	vadd.s32 s22, v10;
	v52 =	vadd.s32 s25, v10;
	v24 =	vshll.u32 v24, v1  }
0x68: {  	v53 =	vadd.s32 s31, v10;
	v9 =	vbroadcast v9, $0x0;
	v11 =	vor.u32 v11, v24;
	v57 =	vld.idx.msk [tilespmem:v23+s4+$0x0], $0xffff  }
0x69: {  	s16 =	sadd.s32 $0xFFFFFCE0, s1;
	v8 =	vor.u32 v8, v55;
	v60 =	vshll.u32 v22, v1;
	v11 =	vbroadcast v11, $0x0;
	v58 =	vld.idx.msk [tilespmem:v25+s4+$0x0], $0xffff  }
0x6a: {  	v7 =	vor.u32 v7, v56;
	v12 =	vshll.u32 v54, v1;
	v27 =	vadd.s32 s16, v10;
	v59 =	vld.idx.msk [tilespmem:v26+s4+$0x0], $0xffff  }
0x6b: {  	v6 =	vor.u32 v6, v16;
	v8 =	vbroadcast v8, $0x0;
	v11 =	vor.u32 v2, v11;
	v13 =	vld.idx.msk [tilespmem:v51+s4+$0x0], $0xffff  }
0x6c: {  	v5 =	vor.u32 v5, v17;
	v7 =	vbroadcast v7, $0x0;
	v9 =	vor.u32 v2, v9;
	v62 =	vld.idx.msk [tilespmem:v28+s4+$0x0], $0xffff  }
0x6d: {  	v5 =	vbroadcast v5, $0x0;
	v4 =	vor.u32 v4, v60;
	v8 =	vor.u32 v2, v8;
	v63 =	vld.idx.msk [tilespmem:v52+s4+$0x0], $0xffff  }
0x6e: {  	v3 =	vor.u32 v3, v12;
	v4 =	vbroadcast v4, $0x0;
	v7 =	vor.u32 v2, v7;
	v10 =	vld.idx.msk [tilespmem:v53+s4+$0x0], $0xffff  }
0x6f: {  	v6 =	vbroadcast v6, $0x0;
	v3 =	vbroadcast v3, $0x0;
	v5 =	vor.u32 v2, v5;
	v61 =	vld.idx.msk [tilespmem:v27+s4+$0x0], $0xffff  }
0x70: {  	v4 =	vor.u32 v2, v4;
	[tilespmem:v11+s19+$0x0] =	vst.idx.add.f32.msk $0xffff, v57  }
0x71: {  	s11 =	sadd.s32 $0x1, s11;
	v6 =	vor.u32 v2, v6;
	v2 =	vor.u32 v2, v3;
	[tilespmem:v9+s19+$0x0] =	vst.idx.add.f32.msk $0xffff, v13  }
0x72: {  	p1 =	sne.s32 s11, $0x10;
	[tilespmem:v8+s19+$0x0] =	vst.idx.add.f32.msk $0xffff, v58  }
.Ltmp1:
0x73: {  	[tilespmem:v7+s19+$0x0] =	vst.idx.add.f32.msk $0xffff, v59;
	(pc) =	sbr.rel @p1 .LBB2_3-.Ltmp1, $4  }
0x74: {  	[tilespmem:v5+s19+$0x0] =	vst.idx.add.f32.msk $0xffff, v62  }
0x75: {  	[tilespmem:v4+s19+$0x0] =	vst.idx.add.f32.msk $0xffff, v63  }
0x76: {  	[tilespmem:v2+s19+$0x0] =	vst.idx.add.f32.msk $0xffff, v10  }
0x77: {  	[tilespmem:v6+s19+$0x0] =	vst.idx.add.f32.msk $0xffff, v61  }
0x78: {  	s1 =	sadd.s32 s5, s8  }
0x79: {  	s2 =	sshll.u32 s1, $0x8  }
0x7a: {  	s1 =	sshll.u32 s1, $0xB;
	s2 =	sand.u32 $0xC00, s2  }
0x7b: {  	s1 =	sand.u32 $0xFFF8000, s1;
	s2 =	sadd.s32 s3, s2  }
0x7c: {  	s16 =	sor.u32 $0x3, s8;
	s1 =	sadd.s32 s1, s2  }
0x7d: {  	[hbm4b:s1+s17] =	stream.strided.scatter [tilespmem:s19], [sflag:$0x5], $0x4000, s18, s17, $0x38;
	[tilespmem:$0x13600] =	vst v63  }
0x7e: {  	s15 =	simm.s32 $0x0;
	s2 =	simm.s32 @!p0 $0x8;
	s1 =	sadd.s32 s5, s16  }
0x7f: {  	s22 =	simm.s32 $0x3500;
	_ =	swait.ge @!p0 [sflag:s2], $0x4000;
	s9 =	sshll.u32 s1, $0x8  }
0x80: {  	[sflag:s2] =	ssyncset.done @!p0 $0x0;
	s11 =	sshrl.u32 s9, $0x3;
	s9 =	sand.u32 $0xF00, s9  }
0x81: {  	[sflag:s2] =	ssyncadd.s32 @!p0 $0xFFFFC000;
	s20 =	sadd.s32 s6, s11;
	s11 =	sshll.u32 s1, $0xB  }
0x82: {  	[tilespmem:s22], [sflag:$0x4] =	stream.linear.gather [hbm4b:s20+s15], $0x100, $0x38;
	[tilespmem:$0x13600] =	vst v63  }
0x83: {  	s25 =	sadd.s32 s0, s9;
	s1 =	sand.u32 $0x1FFF8000, s11  }
0x84: {  	s1 =	sadd.s32 s1, s25  }
0x85: {  	[tilespmem:s26], [sflag:$0x4] =	stream.strided.gather [hbm4b:s1+s17], $0x4000, s18, s17, $0x38;
	[tilespmem:$0x13600] =	vst v63  }
0x86: {  	_ =	swait.ge [sflag:s28], $0x100  }
0x87: {  	[sflag:s28] =	ssyncset.done $0x0  }
0x88: {  	[sflag:s28] =	ssyncadd.s32 $0xFFFFFF00  }
0x89: {  	_ =	swait.ge [sflag:s28], $0x4000  }
0x8a: {  	[sflag:s28] =	ssyncset.done $0x0  }
0x8b: {  	s31 =	sor.u32 $0x1, s8;
	s1 =	simm.s32 $0x0;
	[sflag:s28] =	ssyncadd.s32 $0xFFFFC000  }
.LBB2_7:
0x8c: {  	s2 =	sshll.u32 s1, $0x4  }
0x8d: {  	v12 =	vmov s15;
	s22 =	simm.s32 $0x1;
	v2 =	vmov s2  }
0x8e: {  	s16 =	simm.s32 $0x2;
	s25 =	simm.s32 $0x3;
	s12 =	simm.s32 $0x4;
	v3 =	vor.u32 s2, v0;
	v12 =	vshrl.u32 v12, $0x3;
	v13 =	vmov s22  }
0x8f: {  	s20 =	simm.s32 $0x5;
	v14 =	vmov s16;
	v15 =	vmov s25;
	v16 =	vmov s12  }
0x90: {  	v17 =	vmov s20;
	s16 =	simm.s32 $0x6;
	v2 =	vshll.u32 v2, $0x3;
	v12 =	vshll.u32 v12, v1  }
0x91: {  	v13 =	vshrl.u32 v13, $0x3;
	v18 =	vmov s16;
	v14 =	vshrl.u32 v14, $0x3  }
0x92: {  	s25 =	simm.s32 $0x7;
	v15 =	vshrl.u32 v15, $0x3;
	v16 =	vshrl.u32 v16, $0x3;
	v17 =	vshrl.u32 v17, $0x3  }
0x93: {  	v10 =	vld [tilespmem:s2+$0x3300];
	v20 =	vmov s25;
	v9 =	vand.u32 $0x400, v2;
	v2 =	vand.u32 $0x7F, v3  }
0x94: {  	v20 =	vshrl.u32 v20, $0x3;
	v13 =	vshll.u32 v13, v1;
	v14 =	vshll.u32 v14, v1  }
0x95: {  	v15 =	vshll.u32 v15, v1;
	v16 =	vshll.u32 v16, v1;
	v17 =	vshll.u32 v17, v1  }
0x96: {  	v8 =	vor.u32 $0x80, v9;
	v7 =	vor.u32 $0x100, v9;
	v6 =	vor.u32 $0x180, v9  }
0x97: {  	s20 =	simm.s32 $0x578;
	v5 =	vor.u32 $0x200, v9;
	v4 =	vor.u32 $0x280, v9;
	v11 =	vor.u32 $0x380, v9  }
0x98: {  	s12 =	simm.s32 $0xC8;
	v20 =	vshll.u32 v20, v1;
	v12 =	vor.u32 v9, v12;
	v19 =	vadd.s32 s20, v10  }
0x99: {  	s22 =	simm.s32 $0x190;
	v20 =	vor.u32 v11, v20;
	v12 =	vbroadcast v12, $0x0;
	v21 =	vadd.s32 s12, v10  }
0x9a: {  	s25 =	simm.s32 $0x3E8;
	s16 =	simm.s32 $0x4B0;
	v13 =	vor.u32 v8, v13;
	v14 =	vor.u32 v7, v14;
	v22 =	vadd.s32 s22, v10  }
0x9b: {  	s20 =	simm.s32 $0x258;
	s12 =	simm.s32 $0x0;
	v26 =	vadd.s32 s25, v10;
	v27 =	vadd.s32 s16, v10;
	v20 =	vbroadcast v20, $0x0  }
0x9c: {  	v13 =	vbroadcast v13, $0x0;
	v23 =	vadd.s32 s20, v10;
	v25 =	vadd.s32 s12, v10  }
0x9d: {  	v60 =	vor.u32 v2, v12;
	v12 =	vbroadcast v14, $0x0;
	v14 =	vor.u32 v6, v15;
	v19 =	vld.idx.msk [tilespmem:v19+s4+$0x0], $0xffff  }
0x9e: {  	s22 =	simm.s32 $0x320;
	v15 =	vor.u32 v2, v13;
	v13 =	vbroadcast v14, $0x0;
	v14 =	vor.u32 v5, v16;
	v21 =	vld.idx.msk [tilespmem:v21+s4+$0x0], $0xffff  }
0x9f: {  	v24 =	vadd.s32 s22, v10;
	v16 =	vor.u32 v2, v12;
	v12 =	vbroadcast v14, $0x0;
	v28 =	vld.idx.msk [tilespmem:v22+s4+$0x0], $0xffff  }
0xa0: {  	v20 =	vor.u32 v2, v20;
	v14 =	vor.u32 v4, v17;
	v17 =	vor.u32 v2, v13;
	v13 =	vld.idx.msk [tilespmem:v26+s4+$0x0], $0xffff  }
0xa1: {  	v61 =	vor.u32 v2, v12;
	v12 =	vld.idx.msk [tilespmem:v27+s4+$0x0], $0xffff  }
0xa2: {  	v18 =	vshrl.u32 v18, $0x3;
	v22 =	vld.idx.msk [tilespmem:v25+s4+$0x0], $0xffff  }
0xa3: {  	v3 =	vor.u32 $0x300, v9;
	v18 =	vshll.u32 v18, v1;
	v23 =	vld.idx.msk [tilespmem:v23+s4+$0x0], $0xffff  }
0xa4: {  	v18 =	vor.u32 v3, v18;
	v14 =	vbroadcast v14, $0x0;
	v24 =	vld.idx.msk [tilespmem:v24+s4+$0x0], $0xffff  }
0xa5: {  	s25 =	simm.s32 $0x9;
	s16 =	simm.s32 $0xB;
	[tilespmem:v20+s21+$0x0] =	vst.idx.add.f32.msk $0xffff, v19;
	v20 =	vbroadcast v18, $0x0  }
0xa6: {  	s12 =	simm.s32 $0xA;
	v62 =	vmov s25;
	s20 =	simm.s32 $0xC;
	v29 =	vmov s16;
	v18 =	vor.u32 v2, v14;
	[tilespmem:v15+s21+$0x0] =	vst.idx.add.f32.msk $0xffff, v21  }
0xa7: {  	s22 =	simm.s32 $0x8;
	s25 =	simm.s32 $0xE;
	v63 =	vmov s12;
	v30 =	vmov s20;
	[tilespmem:v16+s21+$0x0] =	vst.idx.add.f32.msk $0xffff, v28;
	v20 =	vor.u32 v2, v20  }
0xa8: {  	v19 =	vmov s22;
	s22 =	simm.s32 $0xD;
	v15 =	vshrl.u32 v62, $0x3;
	v21 =	vmov s25;
	[tilespmem:v60+s21+$0x0] =	vst.idx.add.f32.msk $0xffff, v22  }
0xa9: {  	v16 =	vshrl.u32 v29, $0x3;
	v19 =	vshrl.u32 v19, $0x3;
	v22 =	vmov s22;
	[tilespmem:v17+s21+$0x0] =	vst.idx.add.f32.msk $0xffff, v23  }
0xaa: {  	s2 =	simm.s32 $0xBB8;
	s16 =	simm.s32 $0x10;
	s20 =	simm.s32 $0xF;
	v17 =	vshrl.u32 v30, $0x3;
	[tilespmem:v61+s21+$0x0] =	vst.idx.add.f32.msk $0xffff, v24;
	v14 =	vshll.u32 v19, v1;
	v19 =	vshrl.u32 v63, $0x3  }
.LBB2_8:
0xab: {  	p0 =	slt.u32 s16, $0x38;
	s22 =	sadd.s32 $0xFFFFFB50, s2;
	s25 =	sadd.s32 $0xFFFFFC18, s2;
	v22 =	vshrl.u32 v22, $0x3;
	v23 =	vadd.s32 s2, v10;
	v24 =	vmov s20;
	[tilespmem:v18+s21+$0x0] =	vst.idx.add.f32.msk $0xffff, v13  }
0xac: {  	s20 =	sadd.s32 $0xFFFFFCE0, s2;
	v13 =	vadd.s32 s22, v10;
	v18 =	vadd.s32 s25, v10;
	s22 =	sadd.s32 $0xFFFFFDA8, s2;
	s25 =	sadd.s32 $0xFFFFFE70, s2;
	v24 =	vshrl.u32 v24, $0x3;
	[tilespmem:v20+s21+$0x0] =	vst.idx.add.f32.msk $0xffff, v12  }
0xad: {  	s12 =	sadd.s32 $0xFFFFFA88, s2;
	v12 =	vadd.s32 s20, v10;
	s20 =	sadd.s32 $0xFFFFFF38, s2;
	v20 =	vadd.s32 s22, v10;
	v24 =	vshll.u32 v24, v1  }
0xae: {  	v25 =	vadd.s32 s12, v10;
	v26 =	vadd.s32 s25, v10;
	v24 =	vor.u32 v11, v24  }
0xaf: {  	v21 =	vshrl.u32 v21, $0x3;
	v27 =	vadd.s32 s20, v10;
	v24 =	vbroadcast v24, $0x0  }
0xb0: {  	v14 =	vor.u32 v9, v14;
	v15 =	vshll.u32 v15, v1;
	v19 =	vshll.u32 v19, v1;
	v23 =	vld.idx.msk [tilespmem:v23+s4+$0x0], $0xffff  }
0xb1: {  	v28 =	vld.idx.msk [tilespmem:v13+s4+$0x0], $0xffff;
	v13 =	vshll.u32 v16, v1;
	v16 =	vshll.u32 v17, v1;
	v17 =	vor.u32 v2, v24  }
0xb2: {  	v14 =	vbroadcast v14, $0x0;
	v15 =	vor.u32 v8, v15;
	v24 =	vld.idx.msk [tilespmem:v18+s4+$0x0], $0xffff;
	v18 =	vshll.u32 v22, v1  }
0xb3: {  	v19 =	vor.u32 v7, v19;
	v21 =	vshll.u32 v21, v1;
	v15 =	vbroadcast v15, $0x0;
	v22 =	vld.idx.msk [tilespmem:v25+s4+$0x0], $0xffff  }
0xb4: {  	v19 =	vbroadcast v19, $0x0;
	v14 =	vor.u32 v2, v14;
	v25 =	vld.idx.msk [tilespmem:v12+s4+$0x0], $0xffff;
	v12 =	vor.u32 v6, v13  }
0xb5: {  	v15 =	vor.u32 v2, v15;
	v13 =	vor.u32 v5, v16;
	v12 =	vbroadcast v12, $0x0;
	v29 =	vld.idx.msk [tilespmem:v20+s4+$0x0], $0xffff  }
0xb6: {  	v18 =	vor.u32 v4, v18;
	v16 =	vor.u32 v2, v19;
	v19 =	vbroadcast v13, $0x0;
	[tilespmem:v17+s21+$0x0] =	vst.idx.add.f32.msk $0xffff, v23  }
0xb7: {  	v18 =	vbroadcast v18, $0x0;
	v20 =	vor.u32 v3, v21;
	v17 =	vor.u32 v2, v12;
	v13 =	vld.idx.msk [tilespmem:v26+s4+$0x0], $0xffff  }
0xb8: {  	v21 =	vmov s16;
	v23 =	vor.u32 v2, v19;
	v19 =	vbroadcast v20, $0x0;
	v12 =	vld.idx.msk [tilespmem:v27+s4+$0x0], $0xffff  }
.Ltmp2:
0xb9: {  	s12 =	sadd.s32 $0x1, s16;
	s20 =	sadd.s32 $0x2, s16;
	v21 =	vshrl.u32 v21, $0x3;
	v18 =	vor.u32 v2, v18;
	[tilespmem:v14+s21+$0x0] =	vst.idx.add.f32.msk $0xffff, v22;
	(pc) =	sbr.rel @p0 .LBB2_8-.Ltmp2, $4  }
0xba: {  	s22 =	sadd.s32 $0x5, s16;
	v26 =	vmov s12;
	s12 =	sadd.s32 $0x3, s16;
	v27 =	vmov s20;
	s20 =	sadd.s32 $0x4, s16;
	v20 =	vor.u32 v2, v19;
	[tilespmem:v15+s21+$0x0] =	vst.idx.add.f32.msk $0xffff, v28  }
0xbb: {  	v30 =	vmov s20;
	v22 =	vmov s22;
	v28 =	vmov s12;
	s12 =	sadd.s32 $0x6, s16;
	[tilespmem:v16+s21+$0x0] =	vst.idx.add.f32.msk $0xffff, v24  }
0xbc: {  	v14 =	vshll.u32 v21, v1;
	v15 =	vshrl.u32 v26, $0x3;
	v21 =	vmov s12;
	[tilespmem:v17+s21+$0x0] =	vst.idx.add.f32.msk $0xffff, v25  }
0xbd: {  	s2 =	sadd.s32 $0x640, s2;
	v19 =	vshrl.u32 v27, $0x3;
	s20 =	sadd.s32 $0x7, s16;
	s16 =	sadd.s32 $0x8, s16;
	v16 =	vshrl.u32 v28, $0x3;
	v17 =	vshrl.u32 v30, $0x3;
	[tilespmem:v23+s21+$0x0] =	vst.idx.add.f32.msk $0xffff, v29  }
0xbe: {  	_ = 	snop  }
0xbf: {  	s12 =	sadd.s32 $0xFFFFFB50, s2;
	v22 =	vshrl.u32 v22, $0x3;
	v23 =	vadd.s32 s2, v10;
	v24 =	vmov s20  }
0xc0: {  	s16 =	sadd.s32 $0xFFFFFC18, s2;
	v54 =	vshrl.u32 v21, $0x3;
	v9 =	vor.u32 v9, v14;
	v25 =	vadd.s32 s12, v10  }
0xc1: {  	s22 =	sadd.s32 $0xFFFFFA88, s2;
	v55 =	vshll.u32 v15, v1;
	v56 =	vshll.u32 v19, v1;
	v26 =	vadd.s32 s16, v10  }
0xc2: {  	s25 =	sadd.s32 $0xFFFFFDA8, s2;
	[tilespmem:v18+s21+$0x0] =	vst.idx.add.f32.msk $0xffff, v13;
	v16 =	vshll.u32 v16, v1;
	v24 =	vshrl.u32 v24, $0x3;
	v51 =	vadd.s32 s22, v10  }
0xc3: {  	s20 =	sadd.s32 $0xFFFFFE70, s2;
	[tilespmem:v20+s21+$0x0] =	vst.idx.add.f32.msk $0xffff, v12;
	v17 =	vshll.u32 v17, v1;
	v28 =	vadd.s32 s25, v10;
	v24 =	vshll.u32 v24, v1  }
0xc4: {  	s16 =	sadd.s32 $0xFFFFFCE0, s2;
	v52 =	vadd.s32 s20, v10;
	v9 =	vbroadcast v9, $0x0;
	v11 =	vor.u32 v11, v24;
	v57 =	vld.idx.msk [tilespmem:v23+s4+$0x0], $0xffff  }
0xc5: {  	s25 =	sadd.s32 $0xFFFFFF38, s2;
	v8 =	vor.u32 v8, v55;
	v27 =	vadd.s32 s16, v10;
	v11 =	vbroadcast v11, $0x0;
	v58 =	vld.idx.msk [tilespmem:v25+s4+$0x0], $0xffff  }
0xc6: {  	v60 =	vshll.u32 v22, v1;
	v7 =	vor.u32 v7, v56;
	v53 =	vadd.s32 s25, v10;
	v59 =	vld.idx.msk [tilespmem:v26+s4+$0x0], $0xffff  }
0xc7: {  	v12 =	vshll.u32 v54, v1;
	v8 =	vbroadcast v8, $0x0;
	v11 =	vor.u32 v2, v11;
	v13 =	vld.idx.msk [tilespmem:v51+s4+$0x0], $0xffff  }
0xc8: {  	v5 =	vor.u32 v5, v17;
	v7 =	vbroadcast v7, $0x0;
	v9 =	vor.u32 v2, v9;
	v62 =	vld.idx.msk [tilespmem:v28+s4+$0x0], $0xffff  }
0xc9: {  	v5 =	vbroadcast v5, $0x0;
	v4 =	vor.u32 v4, v60;
	v8 =	vor.u32 v2, v8;
	v63 =	vld.idx.msk [tilespmem:v52+s4+$0x0], $0xffff  }
0xca: {  	v6 =	vor.u32 v6, v16;
	v4 =	vbroadcast v4, $0x0;
	v7 =	vor.u32 v2, v7;
	v61 =	vld.idx.msk [tilespmem:v27+s4+$0x0], $0xffff  }
0xcb: {  	v6 =	vbroadcast v6, $0x0;
	v3 =	vor.u32 v3, v12;
	v5 =	vor.u32 v2, v5;
	v10 =	vld.idx.msk [tilespmem:v53+s4+$0x0], $0xffff  }
0xcc: {  	v3 =	vbroadcast v3, $0x0;
	v4 =	vor.u32 v2, v4;
	[tilespmem:v11+s21+$0x0] =	vst.idx.add.f32.msk $0xffff, v57  }
0xcd: {  	s1 =	sadd.s32 $0x1, s1;
	v6 =	vor.u32 v2, v6;
	[tilespmem:v9+s21+$0x0] =	vst.idx.add.f32.msk $0xffff, v13  }
0xce: {  	p0 =	sne.s32 s1, $0x10;
	v2 =	vor.u32 v2, v3;
	[tilespmem:v8+s21+$0x0] =	vst.idx.add.f32.msk $0xffff, v58  }
.Ltmp3:
0xcf: {  	[tilespmem:v7+s21+$0x0] =	vst.idx.add.f32.msk $0xffff, v59;
	(pc) =	sbr.rel @p0 .LBB2_7-.Ltmp3, $4  }
0xd0: {  	[tilespmem:v5+s21+$0x0] =	vst.idx.add.f32.msk $0xffff, v62  }
0xd1: {  	[tilespmem:v4+s21+$0x0] =	vst.idx.add.f32.msk $0xffff, v63  }
0xd2: {  	[tilespmem:v6+s21+$0x0] =	vst.idx.add.f32.msk $0xffff, v61  }
0xd3: {  	[tilespmem:v2+s21+$0x0] =	vst.idx.add.f32.msk $0xffff, v10  }
0xd4: {  	s1 =	sadd.s32 s5, s31  }
0xd5: {  	s2 =	sshll.u32 s1, $0x8  }
0xd6: {  	s1 =	sshll.u32 s1, $0xB;
	s2 =	sand.u32 $0xD00, s2  }
0xd7: {  	s1 =	sand.u32 $0xFFF8000, s1;
	s2 =	sadd.s32 s3, s2  }
0xd8: {  	p0 =	seq.s32 s7, $0x18;
	s1 =	sadd.s32 s1, s2  }
0xd9: {  	[hbm4b:s1+s17] =	stream.strided.scatter [tilespmem:s21], [sflag:$0x6], $0x4000, s18, s17, $0x38;
	[tilespmem:$0x13600] =	vst v63  }
0xda: {  	s1 =	simm.s32 @!p0 $0x5  }
0xdb: {  	_ =	swait.ge @!p0 [sflag:s1], $0x4000  }
0xdc: {  	s15 =	simm.s32 @!p0 $0x0;
	s2 =	rddreg [dreg:$0x9]  }
0xdd: {  	s16 =	simm.s32 @!p0 $0x3200;
	[sflag:s1] =	ssyncset.done @!p0 $0x0;
	s2 =	sadd.s32 @!p0 s8, s2  }
0xde: {  	[sflag:s1] =	ssyncadd.s32 @!p0 $0xFFFFC000;
	s12 =	sshll.u32 @!p0 s2, $0x5;
	s1 =	sshll.u32 @!p0 s2, $0x8  }
0xdf: {  	s2 =	sshll.u32 @!p0 s2, $0xB;
	s12 =	sand.u32 @!p0 $0x1FFFFF80, s12;
	s1 =	sand.u32 @!p0 $0xC00, s1  }
0xe0: {  	s2 =	sand.u32 @!p0 $0x1FFF8000, s2;
	s12 =	sadd.s32 @!p0 s6, s12;
	s1 =	sadd.s32 @!p0 s0, s1  }
0xe1: {  	[tilespmem:s16], [sflag:$0x1] =	stream.linear.gather @!p0 [hbm4b:s12+s15], $0x100, $0x38;
	[tilespmem:$0x13600] =	vst v63  }
0xe2: {  	s1 =	sadd.s32 @!p0 s2, s1  }
0xe3: {  	s2 =	simm.s32 @!p0 $0x800;
	s12 =	simm.s32 @!p0 $0x8000;
	s15 =	simm.s32 @!p0 $0x3600  }
0xe4: {  	[tilespmem:s15], [sflag:$0x1] =	stream.strided.gather @!p0 [hbm4b:s1+s2], $0x4000, s12, s2, $0x38;
	[tilespmem:$0x13600] =	vst v63  }
0xe5: {  	_ =	swait.ge [sflag:s29], $0x100  }
0xe6: {  	[sflag:s29] =	ssyncset.done $0x0  }
0xe7: {  	[sflag:s29] =	ssyncadd.s32 $0xFFFFFF00  }
0xe8: {  	_ =	swait.ge [sflag:s29], $0x4000  }
0xe9: {  	[sflag:s29] =	ssyncset.done $0x0  }
0xea: {  	s15 =	simm.s32 $0x0;
	s1 =	simm.s32 $0x0;
	[sflag:s29] =	ssyncadd.s32 $0xFFFFC000  }
.LBB2_11:
0xeb: {  	s2 =	sshll.u32 s1, $0x4  }
0xec: {  	v12 =	vmov s15;
	s22 =	simm.s32 $0x1;
	s12 =	simm.s32 $0x2;
	v2 =	vmov s2;
	v3 =	vor.u32 s2, v0  }
0xed: {  	s25 =	simm.s32 $0x3;
	s31 =	simm.s32 $0x4;
	s16 =	simm.s32 $0x5;
	v12 =	vshrl.u32 v12, $0x3;
	v13 =	vmov s22;
	v14 =	vmov s12  }
0xee: {  	s20 =	simm.s32 $0x6;
	v15 =	vmov s25;
	v16 =	vmov s31;
	v17 =	vmov s16  }
0xef: {  	v18 =	vmov s20;
	v2 =	vshll.u32 v2, $0x3;
	v12 =	vshll.u32 v12, v1  }
0xf0: {  	v10 =	vld [tilespmem:s2+$0x3400];
	s25 =	simm.s32 $0x7;
	v13 =	vshrl.u32 v13, $0x3;
	v14 =	vshrl.u32 v14, $0x3;
	v15 =	vshrl.u32 v15, $0x3  }
0xf1: {  	v16 =	vshrl.u32 v16, $0x3;
	v17 =	vshrl.u32 v17, $0x3;
	v20 =	vmov s25  }
0xf2: {  	v18 =	vshrl.u32 v18, $0x3;
	v9 =	vand.u32 $0x400, v2;
	v2 =	vand.u32 $0x7F, v3  }
0xf3: {  	v20 =	vshrl.u32 v20, $0x3;
	v13 =	vshll.u32 v13, v1;
	v14 =	vshll.u32 v14, v1  }
0xf4: {  	s22 =	simm.s32 $0x578;
	v15 =	vshll.u32 v15, v1;
	v16 =	vshll.u32 v16, v1;
	v8 =	vor.u32 $0x80, v9  }
0xf5: {  	s31 =	simm.s32 $0xC8;
	v7 =	vor.u32 $0x100, v9;
	v6 =	vor.u32 $0x180, v9;
	v19 =	vadd.s32 s22, v10  }
0xf6: {  	s20 =	simm.s32 $0x190;
	v5 =	vor.u32 $0x200, v9;
	v11 =	vor.u32 $0x380, v9;
	v21 =	vadd.s32 s31, v10  }
0xf7: {  	s25 =	simm.s32 $0x320;
	v20 =	vshll.u32 v20, v1;
	v12 =	vor.u32 v9, v12;
	v22 =	vadd.s32 s20, v10  }
0xf8: {  	v20 =	vor.u32 v11, v20;
	v12 =	vbroadcast v12, $0x0;
	s22 =	simm.s32 $0x0;
	v24 =	vadd.s32 s25, v10  }
0xf9: {  	v13 =	vor.u32 v8, v13;
	v14 =	vor.u32 v7, v14;
	s20 =	simm.s32 $0x258;
	v25 =	vadd.s32 s22, v10  }
0xfa: {  	s31 =	simm.s32 $0x3E8;
	s25 =	simm.s32 $0x4B0;
	v20 =	vbroadcast v20, $0x0;
	v13 =	vbroadcast v13, $0x0;
	v23 =	vadd.s32 s20, v10;
	v19 =	vld.idx.msk [tilespmem:v19+s4+$0x0], $0xffff  }
0xfb: {  	v26 =	vadd.s32 s31, v10;
	v27 =	vadd.s32 s25, v10;
	v60 =	vor.u32 v2, v12;
	v21 =	vld.idx.msk [tilespmem:v21+s4+$0x0], $0xffff  }
0xfc: {  	v12 =	vbroadcast v14, $0x0;
	v14 =	vor.u32 v6, v15;
	v20 =	vor.u32 v2, v20;
	v28 =	vld.idx.msk [tilespmem:v22+s4+$0x0], $0xffff  }
0xfd: {  	v15 =	vor.u32 v2, v13;
	v13 =	vbroadcast v14, $0x0;
	v14 =	vor.u32 v5, v16;
	v24 =	vld.idx.msk [tilespmem:v24+s4+$0x0], $0xffff  }
0xfe: {  	v17 =	vshll.u32 v17, v1;
	v16 =	vor.u32 v2, v12;
	v12 =	vbroadcast v14, $0x0;
	v22 =	vld.idx.msk [tilespmem:v25+s4+$0x0], $0xffff  }
0xff: {  	v18 =	vshll.u32 v18, v1;
	v4 =	vor.u32 $0x280, v9;
	v3 =	vor.u32 $0x300, v9;
	v23 =	vld.idx.msk [tilespmem:v23+s4+$0x0], $0xffff  }
0x100: {  	v14 =	vor.u32 v4, v17;
	v17 =	vor.u32 v2, v13;
	v61 =	vor.u32 v2, v12;
	v13 =	vld.idx.msk [tilespmem:v26+s4+$0x0], $0xffff  }
0x101: {  	v18 =	vor.u32 v3, v18;
	v14 =	vbroadcast v14, $0x0;
	v12 =	vld.idx.msk [tilespmem:v27+s4+$0x0], $0xffff  }
0x102: {  	s12 =	simm.s32 $0x9;
	s16 =	simm.s32 $0xA;
	[tilespmem:v20+s23+$0x0] =	vst.idx.add.f32.msk $0xffff, v19;
	v20 =	vbroadcast v18, $0x0  }
0x103: {  	v62 =	vmov s12;
	v63 =	vmov s16;
	s20 =	simm.s32 $0xB;
	s22 =	simm.s32 $0xC;
	v18 =	vor.u32 v2, v14;
	[tilespmem:v15+s23+$0x0] =	vst.idx.add.f32.msk $0xffff, v21  }
0x104: {  	s31 =	simm.s32 $0x8;
	v29 =	vmov s20;
	v30 =	vmov s22;
	[tilespmem:v16+s23+$0x0] =	vst.idx.add.f32.msk $0xffff, v28;
	v20 =	vor.u32 v2, v20  }
0x105: {  	s25 =	simm.s32 $0xD;
	v19 =	vmov s31;
	s31 =	simm.s32 $0xE;
	v15 =	vshrl.u32 v62, $0x3;
	v16 =	vshrl.u32 v29, $0x3;
	[tilespmem:v61+s23+$0x0] =	vst.idx.add.f32.msk $0xffff, v24  }
0x106: {  	v19 =	vshrl.u32 v19, $0x3;
	[tilespmem:v60+s23+$0x0] =	vst.idx.add.f32.msk $0xffff, v22;
	v22 =	vmov s25;
	v21 =	vmov s31  }
0x107: {  	s2 =	simm.s32 $0xBB8;
	s16 =	simm.s32 $0x10;
	s20 =	simm.s32 $0xF;
	[tilespmem:v17+s23+$0x0] =	vst.idx.add.f32.msk $0xffff, v23;
	v17 =	vshrl.u32 v30, $0x3;
	v14 =	vshll.u32 v19, v1;
	v19 =	vshrl.u32 v63, $0x3  }
.LBB2_12:
0x108: {  	p1 =	slt.u32 s16, $0x38;
	s12 =	sadd.s32 $0xFFFFFB50, s2;
	s22 =	sadd.s32 $0xFFFFFC18, s2;
	v22 =	vshrl.u32 v22, $0x3;
	v23 =	vadd.s32 s2, v10;
	v24 =	vmov s20;
	[tilespmem:v18+s23+$0x0] =	vst.idx.add.f32.msk $0xffff, v13  }
0x109: {  	s20 =	sadd.s32 $0xFFFFFDA8, s2;
	v13 =	vadd.s32 s12, v10;
	v18 =	vadd.s32 s22, v10;
	s12 =	sadd.s32 $0xFFFFFCE0, s2;
	s22 =	sadd.s32 $0xFFFFFE70, s2;
	v24 =	vshrl.u32 v24, $0x3;
	[tilespmem:v20+s23+$0x0] =	vst.idx.add.f32.msk $0xffff, v12  }
0x10a: {  	s25 =	sadd.s32 $0xFFFFFA88, s2;
	v20 =	vadd.s32 s20, v10;
	v12 =	vadd.s32 s12, v10;
	s12 =	sadd.s32 $0xFFFFFF38, s2;
	v24 =	vshll.u32 v24, v1  }
0x10b: {  	v25 =	vadd.s32 s25, v10;
	v26 =	vadd.s32 s22, v10;
	v24 =	vor.u32 v11, v24  }
0x10c: {  	v21 =	vshrl.u32 v21, $0x3;
	v27 =	vadd.s32 s12, v10;
	v24 =	vbroadcast v24, $0x0  }
0x10d: {  	v14 =	vor.u32 v9, v14;
	v15 =	vshll.u32 v15, v1;
	v19 =	vshll.u32 v19, v1;
	v23 =	vld.idx.msk [tilespmem:v23+s4+$0x0], $0xffff  }
0x10e: {  	v28 =	vld.idx.msk [tilespmem:v13+s4+$0x0], $0xffff;
	v13 =	vshll.u32 v16, v1;
	v16 =	vshll.u32 v17, v1;
	v17 =	vor.u32 v2, v24  }
0x10f: {  	v14 =	vbroadcast v14, $0x0;
	v15 =	vor.u32 v8, v15;
	v24 =	vld.idx.msk [tilespmem:v18+s4+$0x0], $0xffff;
	v18 =	vshll.u32 v22, v1  }
0x110: {  	v19 =	vor.u32 v7, v19;
	v21 =	vshll.u32 v21, v1;
	v15 =	vbroadcast v15, $0x0;
	v22 =	vld.idx.msk [tilespmem:v25+s4+$0x0], $0xffff  }
0x111: {  	v19 =	vbroadcast v19, $0x0;
	v14 =	vor.u32 v2, v14;
	v25 =	vld.idx.msk [tilespmem:v12+s4+$0x0], $0xffff;
	v12 =	vor.u32 v6, v13  }
0x112: {  	v15 =	vor.u32 v2, v15;
	v13 =	vor.u32 v5, v16;
	v12 =	vbroadcast v12, $0x0;
	v29 =	vld.idx.msk [tilespmem:v20+s4+$0x0], $0xffff  }
0x113: {  	v18 =	vor.u32 v4, v18;
	v16 =	vor.u32 v2, v19;
	v19 =	vbroadcast v13, $0x0;
	[tilespmem:v17+s23+$0x0] =	vst.idx.add.f32.msk $0xffff, v23  }
0x114: {  	v18 =	vbroadcast v18, $0x0;
	v20 =	vor.u32 v3, v21;
	v17 =	vor.u32 v2, v12;
	v13 =	vld.idx.msk [tilespmem:v26+s4+$0x0], $0xffff  }
0x115: {  	v21 =	vmov s16;
	v23 =	vor.u32 v2, v19;
	v19 =	vbroadcast v20, $0x0;
	v12 =	vld.idx.msk [tilespmem:v27+s4+$0x0], $0xffff  }
.Ltmp4:
0x116: {  	s20 =	sadd.s32 $0x2, s16;
	s12 =	sadd.s32 $0x1, s16;
	v21 =	vshrl.u32 v21, $0x3;
	v18 =	vor.u32 v2, v18;
	[tilespmem:v14+s23+$0x0] =	vst.idx.add.f32.msk $0xffff, v22;
	(pc) =	sbr.rel @p1 .LBB2_12-.Ltmp4, $4  }
0x117: {  	s22 =	sadd.s32 $0x5, s16;
	v26 =	vmov s12;
	s12 =	sadd.s32 $0x3, s16;
	v27 =	vmov s20;
	s20 =	sadd.s32 $0x4, s16;
	v20 =	vor.u32 v2, v19;
	[tilespmem:v15+s23+$0x0] =	vst.idx.add.f32.msk $0xffff, v28  }
0x118: {  	v30 =	vmov s20;
	v22 =	vmov s22;
	v28 =	vmov s12;
	s12 =	sadd.s32 $0x6, s16;
	[tilespmem:v16+s23+$0x0] =	vst.idx.add.f32.msk $0xffff, v24  }
0x119: {  	v14 =	vshll.u32 v21, v1;
	v15 =	vshrl.u32 v26, $0x3;
	v21 =	vmov s12;
	[tilespmem:v17+s23+$0x0] =	vst.idx.add.f32.msk $0xffff, v25  }
0x11a: {  	s2 =	sadd.s32 $0x640, s2;
	v19 =	vshrl.u32 v27, $0x3;
	s20 =	sadd.s32 $0x7, s16;
	s16 =	sadd.s32 $0x8, s16;
	v16 =	vshrl.u32 v28, $0x3;
	v17 =	vshrl.u32 v30, $0x3;
	[tilespmem:v23+s23+$0x0] =	vst.idx.add.f32.msk $0xffff, v29  }
0x11b: {  	v22 =	vshrl.u32 v22, $0x3  }
0x11c: {  	s12 =	sadd.s32 $0xFFFFFB50, s2;
	v23 =	vadd.s32 s2, v10;
	v24 =	vmov s20;
	v54 =	vshrl.u32 v21, $0x3  }
0x11d: {  	s16 =	sadd.s32 $0xFFFFFC18, s2;
	v9 =	vor.u32 v9, v14;
	v55 =	vshll.u32 v15, v1;
	v25 =	vadd.s32 s12, v10  }
0x11e: {  	s22 =	sadd.s32 $0xFFFFFA88, s2;
	v56 =	vshll.u32 v19, v1;
	v16 =	vshll.u32 v16, v1;
	v26 =	vadd.s32 s16, v10  }
0x11f: {  	s20 =	sadd.s32 $0xFFFFFDA8, s2;
	s25 =	sadd.s32 $0xFFFFFE70, s2;
	[tilespmem:v18+s23+$0x0] =	vst.idx.add.f32.msk $0xffff, v13;
	v17 =	vshll.u32 v17, v1;
	v24 =	vshrl.u32 v24, $0x3;
	v51 =	vadd.s32 s22, v10  }
0x120: {  	s31 =	sadd.s32 $0xFFFFFF38, s2;
	[tilespmem:v20+s23+$0x0] =	vst.idx.add.f32.msk $0xffff, v12;
	v28 =	vadd.s32 s20, v10;
	v52 =	vadd.s32 s25, v10;
	v24 =	vshll.u32 v24, v1  }
0x121: {  	v53 =	vadd.s32 s31, v10;
	v9 =	vbroadcast v9, $0x0;
	v11 =	vor.u32 v11, v24;
	v57 =	vld.idx.msk [tilespmem:v23+s4+$0x0], $0xffff  }
0x122: {  	s16 =	sadd.s32 $0xFFFFFCE0, s2;
	v8 =	vor.u32 v8, v55;
	v60 =	vshll.u32 v22, v1;
	v11 =	vbroadcast v11, $0x0;
	v58 =	vld.idx.msk [tilespmem:v25+s4+$0x0], $0xffff  }
0x123: {  	v7 =	vor.u32 v7, v56;
	v12 =	vshll.u32 v54, v1;
	v27 =	vadd.s32 s16, v10;
	v59 =	vld.idx.msk [tilespmem:v26+s4+$0x0], $0xffff  }
0x124: {  	v6 =	vor.u32 v6, v16;
	v8 =	vbroadcast v8, $0x0;
	v11 =	vor.u32 v2, v11;
	v13 =	vld.idx.msk [tilespmem:v51+s4+$0x0], $0xffff  }
0x125: {  	v5 =	vor.u32 v5, v17;
	v7 =	vbroadcast v7, $0x0;
	v9 =	vor.u32 v2, v9;
	v62 =	vld.idx.msk [tilespmem:v28+s4+$0x0], $0xffff  }
0x126: {  	v5 =	vbroadcast v5, $0x0;
	v4 =	vor.u32 v4, v60;
	v8 =	vor.u32 v2, v8;
	v63 =	vld.idx.msk [tilespmem:v52+s4+$0x0], $0xffff  }
0x127: {  	v3 =	vor.u32 v3, v12;
	v4 =	vbroadcast v4, $0x0;
	v7 =	vor.u32 v2, v7;
	v10 =	vld.idx.msk [tilespmem:v53+s4+$0x0], $0xffff  }
0x128: {  	v6 =	vbroadcast v6, $0x0;
	v3 =	vbroadcast v3, $0x0;
	v5 =	vor.u32 v2, v5;
	v61 =	vld.idx.msk [tilespmem:v27+s4+$0x0], $0xffff  }
0x129: {  	v4 =	vor.u32 v2, v4;
	[tilespmem:v11+s23+$0x0] =	vst.idx.add.f32.msk $0xffff, v57  }
0x12a: {  	s1 =	sadd.s32 $0x1, s1;
	v6 =	vor.u32 v2, v6;
	v2 =	vor.u32 v2, v3;
	[tilespmem:v9+s23+$0x0] =	vst.idx.add.f32.msk $0xffff, v13  }
0x12b: {  	p1 =	sne.s32 s1, $0x10;
	[tilespmem:v8+s23+$0x0] =	vst.idx.add.f32.msk $0xffff, v58  }
.Ltmp5:
0x12c: {  	[tilespmem:v7+s23+$0x0] =	vst.idx.add.f32.msk $0xffff, v59;
	(pc) =	sbr.rel @p1 .LBB2_11-.Ltmp5, $4  }
0x12d: {  	[tilespmem:v5+s23+$0x0] =	vst.idx.add.f32.msk $0xffff, v62  }
0x12e: {  	[tilespmem:v4+s23+$0x0] =	vst.idx.add.f32.msk $0xffff, v63  }
0x12f: {  	[tilespmem:v2+s23+$0x0] =	vst.idx.add.f32.msk $0xffff, v10  }
0x130: {  	[tilespmem:v6+s23+$0x0] =	vst.idx.add.f32.msk $0xffff, v61  }
0x131: {  	s1 =	sand.u32 $0xFFF8000, s14;
	s2 =	sadd.s32 s3, s10  }
0x132: {  	s1 =	sadd.s32 s1, s2  }
0x133: {  	[hbm4b:s1+s17] =	stream.strided.scatter [tilespmem:s23], [sflag:$0x7], $0x4000, s18, s17, $0x38;
	[tilespmem:$0x13600] =	vst v63  }
0x134: {  	s2 =	sadd.s32 @!p0 s8, s13;
	s1 =	simm.s32 @!p0 $0x6  }
0x135: {  	s10 =	simm.s32 @!p0 $0x0;
	s8 =	sshll.u32 @!p0 s2, $0x5;
	_ =	swait.ge @!p0 [sflag:s1], $0x4000  }
0x136: {  	s12 =	simm.s32 @!p0 $0x3300;
	s8 =	sand.u32 @!p0 $0x1FFFFFA0, s8;
	[sflag:s1] =	ssyncset.done @!p0 $0x0  }
0x137: {  	s8 =	sadd.s32 @!p0 s6, s8;
	[sflag:s1] =	ssyncadd.s32 @!p0 $0xFFFFC000;
	s1 =	sshll.u32 @!p0 s2, $0x8  }
0x138: {  	[tilespmem:s12], [sflag:$0x2] =	stream.linear.gather @!p0 [hbm4b:s8+s10], $0x100, $0x38;
	[tilespmem:$0x13600] =	vst v63  }
0x139: {  	s2 =	sshll.u32 @!p0 s2, $0xB;
	s1 =	sand.u32 @!p0 $0xD00, s1  }
0x13a: {  	s2 =	sand.u32 @!p0 $0x1FFF8000, s2;
	s8 =	simm.s32 @!p0 $0x8000;
	s1 =	sadd.s32 @!p0 s0, s1  }
0x13b: {  	s10 =	simm.s32 @!p0 $0x7600;
	s1 =	sadd.s32 @!p0 s2, s1;
	s2 =	simm.s32 @!p0 $0x800  }
0x13c: {  	[tilespmem:s10], [sflag:$0x2] =	stream.strided.gather @!p0 [hbm4b:s1+s2], $0x4000, s8, s2, $0x38;
	[tilespmem:$0x13600] =	vst v63  }
0x13d: {  	_ =	swait.ge [sflag:s30], $0x100  }
0x13e: {  	[sflag:s30] =	ssyncset.done $0x0  }
0x13f: {  	[sflag:s30] =	ssyncadd.s32 $0xFFFFFF00  }
0x140: {  	_ =	swait.ge [sflag:s30], $0x4000  }
0x141: {  	[sflag:s30] =	ssyncset.done $0x0  }
0x142: {  	s8 =	simm.s32 $0x0;
	s1 =	simm.s32 $0x0;
	[sflag:s30] =	ssyncadd.s32 $0xFFFFC000  }
.LBB2_15:
0x143: {  	s2 =	sshll.u32 s1, $0x4  }
0x144: {  	v12 =	vmov s8;
	s22 =	simm.s32 $0x1;
	v2 =	vmov s2  }
0x145: {  	s10 =	simm.s32 $0x2;
	s25 =	simm.s32 $0x3;
	s31 =	simm.s32 $0x4;
	v3 =	vor.u32 s2, v0;
	v12 =	vshrl.u32 v12, $0x3;
	v13 =	vmov s22  }
0x146: {  	s12 =	simm.s32 $0x5;
	s15 =	simm.s32 $0x7;
	v14 =	vmov s10;
	v15 =	vmov s25;
	v16 =	vmov s31  }
0x147: {  	v17 =	vmov s12;
	s10 =	simm.s32 $0x6;
	v20 =	vmov s15;
	v2 =	vshll.u32 v2, $0x3  }
0x148: {  	v10 =	vld [tilespmem:s2+$0x3500];
	v12 =	vshll.u32 v12, v1;
	v13 =	vshrl.u32 v13, $0x3;
	v18 =	vmov s10  }
0x149: {  	v14 =	vshrl.u32 v14, $0x3;
	v15 =	vshrl.u32 v15, $0x3;
	v16 =	vshrl.u32 v16, $0x3  }
0x14a: {  	v17 =	vshrl.u32 v17, $0x3;
	v20 =	vshrl.u32 v20, $0x3;
	v9 =	vand.u32 $0x400, v2  }
0x14b: {  	v2 =	vand.u32 $0x7F, v3;
	v20 =	vshll.u32 v20, v1;
	v18 =	vshrl.u32 v18, $0x3  }
0x14c: {  	s12 =	simm.s32 $0x578;
	v13 =	vshll.u32 v13, v1;
	v14 =	vshll.u32 v14, v1;
	v15 =	vshll.u32 v15, v1  }
0x14d: {  	s16 =	simm.s32 $0xC8;
	v16 =	vshll.u32 v16, v1;
	v17 =	vshll.u32 v17, v1;
	v19 =	vadd.s32 s12, v10  }
0x14e: {  	s14 =	simm.s32 $0x190;
	v8 =	vor.u32 $0x80, v9;
	v7 =	vor.u32 $0x100, v9;
	v21 =	vadd.s32 s16, v10  }
0x14f: {  	s31 =	simm.s32 $0x0;
	v6 =	vor.u32 $0x180, v9;
	v5 =	vor.u32 $0x200, v9;
	v22 =	vadd.s32 s14, v10  }
0x150: {  	s20 =	simm.s32 $0x258;
	v4 =	vor.u32 $0x280, v9;
	v11 =	vor.u32 $0x380, v9;
	v25 =	vadd.s32 s31, v10  }
0x151: {  	s22 =	simm.s32 $0x320;
	v12 =	vor.u32 v9, v12;
	v20 =	vor.u32 v11, v20;
	v23 =	vadd.s32 s20, v10  }
0x152: {  	s25 =	simm.s32 $0x3E8;
	v12 =	vbroadcast v12, $0x0;
	v13 =	vor.u32 v8, v13;
	v24 =	vadd.s32 s22, v10;
	v19 =	vld.idx.msk [tilespmem:v19+s4+$0x0], $0xffff  }
0x153: {  	s10 =	simm.s32 $0x4B0;
	v14 =	vor.u32 v7, v14;
	v26 =	vadd.s32 s25, v10;
	v20 =	vbroadcast v20, $0x0;
	v21 =	vld.idx.msk [tilespmem:v21+s4+$0x0], $0xffff  }
0x154: {  	v27 =	vadd.s32 s10, v10;
	v13 =	vbroadcast v13, $0x0;
	v60 =	vor.u32 v2, v12;
	v28 =	vld.idx.msk [tilespmem:v22+s4+$0x0], $0xffff  }
0x155: {  	v12 =	vbroadcast v14, $0x0;
	v14 =	vor.u32 v6, v15;
	v20 =	vor.u32 v2, v20;
	v22 =	vld.idx.msk [tilespmem:v25+s4+$0x0], $0xffff  }
0x156: {  	v15 =	vor.u32 v2, v13;
	v13 =	vbroadcast v14, $0x0;
	v14 =	vor.u32 v5, v16;
	v23 =	vld.idx.msk [tilespmem:v23+s4+$0x0], $0xffff  }
0x157: {  	v3 =	vor.u32 $0x300, v9;
	v16 =	vor.u32 v2, v12;
	v12 =	vbroadcast v14, $0x0;
	v24 =	vld.idx.msk [tilespmem:v24+s4+$0x0], $0xffff  }
0x158: {  	v18 =	vshll.u32 v18, v1;
	v14 =	vor.u32 v4, v17;
	v17 =	vor.u32 v2, v13;
	v13 =	vld.idx.msk [tilespmem:v26+s4+$0x0], $0xffff  }
0x159: {  	v18 =	vor.u32 v3, v18;
	v14 =	vbroadcast v14, $0x0;
	v61 =	vor.u32 v2, v12;
	v12 =	vld.idx.msk [tilespmem:v27+s4+$0x0], $0xffff  }
0x15a: {  	s15 =	simm.s32 $0x9;
	s16 =	simm.s32 $0xA;
	[tilespmem:v20+s26+$0x0] =	vst.idx.add.f32.msk $0xffff, v19;
	v20 =	vbroadcast v18, $0x0  }
0x15b: {  	v62 =	vmov s15;
	s20 =	simm.s32 $0xB;
	s22 =	simm.s32 $0xC;
	v63 =	vmov s16;
	[tilespmem:v60+s26+$0x0] =	vst.idx.add.f32.msk $0xffff, v22;
	v18 =	vor.u32 v2, v14  }
0x15c: {  	s14 =	simm.s32 $0x8;
	s25 =	simm.s32 $0xD;
	v29 =	vmov s20;
	v30 =	vmov s22;
	[tilespmem:v15+s26+$0x0] =	vst.idx.add.f32.msk $0xffff, v21;
	v20 =	vor.u32 v2, v20  }
0x15d: {  	s31 =	simm.s32 $0xE;
	v19 =	vmov s14;
	v22 =	vmov s25;
	[tilespmem:v16+s26+$0x0] =	vst.idx.add.f32.msk $0xffff, v28;
	v15 =	vshrl.u32 v62, $0x3  }
0x15e: {  	v21 =	vmov s31;
	[tilespmem:v17+s26+$0x0] =	vst.idx.add.f32.msk $0xffff, v23;
	v16 =	vshrl.u32 v29, $0x3;
	v19 =	vshrl.u32 v19, $0x3  }
0x15f: {  	s2 =	simm.s32 $0xBB8;
	s10 =	simm.s32 $0x10;
	v17 =	vshrl.u32 v30, $0x3;
	s14 =	simm.s32 $0xF;
	[tilespmem:v61+s26+$0x0] =	vst.idx.add.f32.msk $0xffff, v24;
	v14 =	vshll.u32 v19, v1;
	v19 =	vshrl.u32 v63, $0x3  }
.LBB2_16:
0x160: {  	p0 =	slt.u32 s10, $0x38;
	s12 =	sadd.s32 $0xFFFFFB50, s2;
	s15 =	sadd.s32 $0xFFFFFC18, s2;
	v22 =	vshrl.u32 v22, $0x3;
	v23 =	vadd.s32 s2, v10;
	v24 =	vmov s14;
	[tilespmem:v18+s26+$0x0] =	vst.idx.add.f32.msk $0xffff, v13  }
0x161: {  	s14 =	sadd.s32 $0xFFFFFDA8, s2;
	v13 =	vadd.s32 s12, v10;
	v18 =	vadd.s32 s15, v10;
	s12 =	sadd.s32 $0xFFFFFCE0, s2;
	s15 =	sadd.s32 $0xFFFFFE70, s2;
	v24 =	vshrl.u32 v24, $0x3;
	[tilespmem:v20+s26+$0x0] =	vst.idx.add.f32.msk $0xffff, v12  }
0x162: {  	s16 =	sadd.s32 $0xFFFFFA88, s2;
	v20 =	vadd.s32 s14, v10;
	v12 =	vadd.s32 s12, v10;
	s12 =	sadd.s32 $0xFFFFFF38, s2;
	v24 =	vshll.u32 v24, v1  }
0x163: {  	v25 =	vadd.s32 s16, v10;
	v26 =	vadd.s32 s15, v10;
	v24 =	vor.u32 v11, v24  }
0x164: {  	v21 =	vshrl.u32 v21, $0x3;
	v27 =	vadd.s32 s12, v10;
	v24 =	vbroadcast v24, $0x0  }
0x165: {  	v14 =	vor.u32 v9, v14;
	v15 =	vshll.u32 v15, v1;
	v19 =	vshll.u32 v19, v1;
	v23 =	vld.idx.msk [tilespmem:v23+s4+$0x0], $0xffff  }
0x166: {  	v28 =	vld.idx.msk [tilespmem:v13+s4+$0x0], $0xffff;
	v13 =	vshll.u32 v16, v1;
	v16 =	vshll.u32 v17, v1;
	v17 =	vor.u32 v2, v24  }
0x167: {  	v14 =	vbroadcast v14, $0x0;
	v15 =	vor.u32 v8, v15;
	v24 =	vld.idx.msk [tilespmem:v18+s4+$0x0], $0xffff;
	v18 =	vshll.u32 v22, v1  }
0x168: {  	v19 =	vor.u32 v7, v19;
	v21 =	vshll.u32 v21, v1;
	v15 =	vbroadcast v15, $0x0;
	v22 =	vld.idx.msk [tilespmem:v25+s4+$0x0], $0xffff  }
0x169: {  	v19 =	vbroadcast v19, $0x0;
	v14 =	vor.u32 v2, v14;
	v25 =	vld.idx.msk [tilespmem:v12+s4+$0x0], $0xffff;
	v12 =	vor.u32 v6, v13  }
0x16a: {  	v15 =	vor.u32 v2, v15;
	v13 =	vor.u32 v5, v16;
	v12 =	vbroadcast v12, $0x0;
	v29 =	vld.idx.msk [tilespmem:v20+s4+$0x0], $0xffff  }
0x16b: {  	v18 =	vor.u32 v4, v18;
	v16 =	vor.u32 v2, v19;
	v19 =	vbroadcast v13, $0x0;
	[tilespmem:v17+s26+$0x0] =	vst.idx.add.f32.msk $0xffff, v23  }
0x16c: {  	v18 =	vbroadcast v18, $0x0;
	v20 =	vor.u32 v3, v21;
	v17 =	vor.u32 v2, v12;
	v13 =	vld.idx.msk [tilespmem:v26+s4+$0x0], $0xffff  }
0x16d: {  	v21 =	vmov s10;
	v23 =	vor.u32 v2, v19;
	v19 =	vbroadcast v20, $0x0;
	v12 =	vld.idx.msk [tilespmem:v27+s4+$0x0], $0xffff  }
.Ltmp6:
0x16e: {  	s14 =	sadd.s32 $0x2, s10;
	s12 =	sadd.s32 $0x1, s10;
	v21 =	vshrl.u32 v21, $0x3;
	v18 =	vor.u32 v2, v18;
	[tilespmem:v14+s26+$0x0] =	vst.idx.add.f32.msk $0xffff, v22;
	(pc) =	sbr.rel @p0 .LBB2_16-.Ltmp6, $4  }
0x16f: {  	s15 =	sadd.s32 $0x5, s10;
	v26 =	vmov s12;
	s12 =	sadd.s32 $0x3, s10;
	v27 =	vmov s14;
	s14 =	sadd.s32 $0x4, s10;
	v20 =	vor.u32 v2, v19;
	[tilespmem:v15+s26+$0x0] =	vst.idx.add.f32.msk $0xffff, v28  }
0x170: {  	v30 =	vmov s14;
	v22 =	vmov s15;
	v28 =	vmov s12;
	s12 =	sadd.s32 $0x6, s10;
	[tilespmem:v16+s26+$0x0] =	vst.idx.add.f32.msk $0xffff, v24  }
0x171: {  	v14 =	vshll.u32 v21, v1;
	v15 =	vshrl.u32 v26, $0x3;
	v21 =	vmov s12;
	[tilespmem:v17+s26+$0x0] =	vst.idx.add.f32.msk $0xffff, v25  }
0x172: {  	s2 =	sadd.s32 $0x640, s2;
	v19 =	vshrl.u32 v27, $0x3;
	s14 =	sadd.s32 $0x7, s10;
	s10 =	sadd.s32 $0x8, s10;
	v16 =	vshrl.u32 v28, $0x3;
	v17 =	vshrl.u32 v30, $0x3;
	[tilespmem:v23+s26+$0x0] =	vst.idx.add.f32.msk $0xffff, v29  }
0x173: {  	_ = 	snop  }
0x174: {  	s10 =	sadd.s32 $0xFFFFFB50, s2;
	v22 =	vshrl.u32 v22, $0x3;
	v23 =	vadd.s32 s2, v10;
	v24 =	vmov s14  }
0x175: {  	s12 =	sadd.s32 $0xFFFFFC18, s2;
	v54 =	vshrl.u32 v21, $0x3;
	v9 =	vor.u32 v9, v14;
	v25 =	vadd.s32 s10, v10  }
0x176: {  	s15 =	sadd.s32 $0xFFFFFA88, s2;
	v55 =	vshll.u32 v15, v1;
	v56 =	vshll.u32 v19, v1;
	v26 =	vadd.s32 s12, v10  }
0x177: {  	s20 =	sadd.s32 $0xFFFFFCE0, s2;
	[tilespmem:v18+s26+$0x0] =	vst.idx.add.f32.msk $0xffff, v13;
	v16 =	vshll.u32 v16, v1;
	v24 =	vshrl.u32 v24, $0x3;
	v51 =	vadd.s32 s15, v10  }
0x178: {  	s22 =	sadd.s32 $0xFFFFFDA8, s2;
	s25 =	sadd.s32 $0xFFFFFE70, s2;
	[tilespmem:v20+s26+$0x0] =	vst.idx.add.f32.msk $0xffff, v12;
	v17 =	vshll.u32 v17, v1;
	v27 =	vadd.s32 s20, v10;
	v24 =	vshll.u32 v24, v1  }
0x179: {  	s31 =	sadd.s32 $0xFFFFFF38, s2;
	v28 =	vadd.s32 s22, v10;
	v52 =	vadd.s32 s25, v10;
	v11 =	vor.u32 v11, v24;
	v57 =	vld.idx.msk [tilespmem:v23+s4+$0x0], $0xffff  }
0x17a: {  	v53 =	vadd.s32 s31, v10;
	v9 =	vbroadcast v9, $0x0;
	v11 =	vbroadcast v11, $0x0;
	v58 =	vld.idx.msk [tilespmem:v25+s4+$0x0], $0xffff  }
0x17b: {  	v8 =	vor.u32 v8, v55;
	v60 =	vshll.u32 v22, v1;
	v7 =	vor.u32 v7, v56;
	v59 =	vld.idx.msk [tilespmem:v26+s4+$0x0], $0xffff  }
0x17c: {  	v12 =	vshll.u32 v54, v1;
	v8 =	vbroadcast v8, $0x0;
	v11 =	vor.u32 v2, v11;
	v13 =	vld.idx.msk [tilespmem:v51+s4+$0x0], $0xffff  }
0x17d: {  	v6 =	vor.u32 v6, v16;
	v7 =	vbroadcast v7, $0x0;
	v9 =	vor.u32 v2, v9;
	v61 =	vld.idx.msk [tilespmem:v27+s4+$0x0], $0xffff  }
0x17e: {  	v5 =	vor.u32 v5, v17;
	v6 =	vbroadcast v6, $0x0;
	v8 =	vor.u32 v2, v8;
	v62 =	vld.idx.msk [tilespmem:v28+s4+$0x0], $0xffff  }
0x17f: {  	v5 =	vbroadcast v5, $0x0;
	v4 =	vor.u32 v4, v60;
	v7 =	vor.u32 v2, v7;
	v63 =	vld.idx.msk [tilespmem:v52+s4+$0x0], $0xffff  }
0x180: {  	v3 =	vor.u32 v3, v12;
	v4 =	vbroadcast v4, $0x0;
	v6 =	vor.u32 v2, v6;
	v10 =	vld.idx.msk [tilespmem:v53+s4+$0x0], $0xffff  }
0x181: {  	v3 =	vbroadcast v3, $0x0;
	v5 =	vor.u32 v2, v5;
	[tilespmem:v11+s26+$0x0] =	vst.idx.add.f32.msk $0xffff, v57  }
0x182: {  	s1 =	sadd.s32 $0x1, s1;
	v4 =	vor.u32 v2, v4;
	[tilespmem:v9+s26+$0x0] =	vst.idx.add.f32.msk $0xffff, v13  }
0x183: {  	p0 =	sne.s32 s1, $0x10;
	v2 =	vor.u32 v2, v3;
	[tilespmem:v8+s26+$0x0] =	vst.idx.add.f32.msk $0xffff, v58  }
.Ltmp7:
0x184: {  	[tilespmem:v7+s26+$0x0] =	vst.idx.add.f32.msk $0xffff, v59;
	(pc) =	sbr.rel @p0 .LBB2_15-.Ltmp7, $4  }
0x185: {  	[tilespmem:v6+s26+$0x0] =	vst.idx.add.f32.msk $0xffff, v61  }
0x186: {  	[tilespmem:v5+s26+$0x0] =	vst.idx.add.f32.msk $0xffff, v62  }
0x187: {  	[tilespmem:v4+s26+$0x0] =	vst.idx.add.f32.msk $0xffff, v63  }
0x188: {  	[tilespmem:v2+s26+$0x0] =	vst.idx.add.f32.msk $0xffff, v10  }
0x189: {  	s7 =	sadd.s32 $0x1, s7  }
0x18a: {  	p0 =	sne.s32 s7, $0x19  }
.Ltmp8:
0x18b: {  	_ = 	snop;
	(pc) =	sbr.rel @p0 .LBB2_2-.Ltmp8, $4  }
0x18c: {  	_ = 	snop  }
0x18d: {  	s1 =	sand.u32 $0xFFF8000, s11;
	s2 =	sadd.s32 s3, s9  }
0x18e: {  	s1 =	sadd.s32 s1, s2  }
0x18f: {  	[hbm4b:s1+s17] =	stream.strided.scatter [tilespmem:s26], [sflag:$0x8], $0x4000, s18, s17, $0x38;
	[tilespmem:$0x13600] =	vst v63  }
0x190: {  	s1 =	simm.s32 $0x5  }
0x191: {  	_ =	swait.ge [sflag:s1], $0x4000  }
0x192: {  	[sflag:s1] =	ssyncset.done $0x0  }
0x193: {  	s22 =	simm.s32 $0x6;
	[sflag:s1] =	ssyncadd.s32 $0xFFFFC000  }
0x194: {  	_ =	swait.ge [sflag:s22], $0x4000  }
0x195: {  	[sflag:s22] =	ssyncset.done $0x0  }
0x196: {  	s25 =	simm.s32 $0x7;
	[sflag:s22] =	ssyncadd.s32 $0xFFFFC000  }
0x197: {  	_ =	swait.ge [sflag:s25], $0x4000  }
0x198: {  	[sflag:s25] =	ssyncset.done $0x0  }
0x199: {  	s2 =	simm.s32 $0x8;
	[sflag:s25] =	ssyncadd.s32 $0xFFFFC000  }
0x19a: {  	_ =	swait.ge [sflag:s2], $0x4000  }
0x19b: {  	s7 =	rddreg [dreg:$0xb]  }
0x19c: {  	s31 =	rddreg [dreg:$0xa];
	s7 =	sadd.s32 $0x1, s7  }
0x19d: {  	p0 =	sne.s32 s7, s31  }
.Ltmp9:
0x19e: {  	_ = 	snop;
	(pc) =	sbr.rel @p0 .LBB2_1-.Ltmp9, $3  }
0x19f: {  	_ =	sdelay $0x1  }
0x1a0: {  	[sflag:s2] =	ssyncset.done $0x0  }
0x1a1: {  	[sflag:s2] =	ssyncadd.s32 $0xFFFFC000  }
0x1a2: {  	_ =	sfence.sel $0x180000  }
0x1a3: {  	[bflag:$0x0] =	sbarrier.arrive $0xFFFF  }
0x1a4: {  	_ =	strace $0x90000047  }
0x1a5: {  	s0 =	stileid.u32;
	[bflag:$0x2] =	sbarrier.arrive $0xFFFF  }
0x1a6: {  	p0 =	sne.s32 s0, $0x0;
	s0 =	rddreg [dreg:$0x3]  }
0x1a7: {  	s0 =	sadd.s32 @!p0 $0x100000, s0  }
0x1a8: {  	[sflag:s0] =	ssyncadd.tile.s32 @!p0 $0x1;
	_ =	shalt  }
.Lfunc_end2:
_tile_overlayer_lowered:
.L_overlay_start_2:
0x1a9: {  	(tag) =	ssettag $0x2  }
0x1aa: {  	s0 =	rddreg [dreg:$0x0];
	s2 =	stileid.u32  }
0x1ab: {  	s1 =	rddreg [dreg:$0x1];
	p0 =	sne.s32 s2, $0x0  }
0x1ac: {  	s3 =	rddreg [dreg:$0x2];
	[bflag:$0x3] =	sbarrier.arrive $0xFFFF;
	s2 =	simm.s32 @!p0 $0x1C09  }
0x1ad: {  	[timem:s3], [sflag:s2] =	dma.local @!p0 [hbm:s0], s1  }
0x1ae: {  	s0 =	simm.s32 @!p0 $0x9  }
0x1af: {  	_ =	swait.ge @!p0 [sflag:s0], s1  }
0x1b0: {  	s1 =	ssub.s32 @!p0 $0x0, s1;
	[sflag:s0] =	ssyncset.done @!p0 $0x0  }
0x1b1: {  	[sflag:s0] =	ssyncadd.s32 @!p0 s1  }
0x1b2: {  	[bflag:$0x3] =	sbarrier.arrive $0xFFFF  }
0x1b3: {  	_ =	shalt  }

</sc_bundles>
